<compile_context>
chip_gen: v7x
topology: tpu7x:2x2x1
jax: 0.10.2.dev20260603
libtpu: 0.0.44.dev20260713+nightly
codegen_flags: <defaults>
</compile_context>

<pallas_src>
import functools

import jax
import jax.numpy as jnp
from jax import lax
from jax.experimental import pallas as pl
from jax.experimental.pallas import tpu as pltpu
from jax.experimental.pallas import tpu_sc as plsc

N = 10000
E = 160000
F = 128
H = 128
C = 16

_NC = 2
_NS = 16
_NW = _NC * _NS
_EP = E // _NW
_KA = 200
_KI = 200
_KC = 200
_NP = 10240
_NROWS = _NP // _NS

_sc_mesh = functools.partial(
    plsc.VectorSubcoreMesh, core_axis_name="c", subcore_axis_name="s")


def _agg_body(src_hbm, dst_hbm, w_hbm, x_hbm, zrow_hbm, out_hbm,
              src_v, dst_v, w_v, rows_v, agg_sp, sem):
    cid = lax.axis_index("c")
    sid = lax.axis_index("s")
    wid = sid * _NC + cid

    pltpu.sync_copy(zrow_hbm, agg_sp.at[pl.ds(sid * _NROWS, _NROWS)])
    plsc.subcore_barrier()

    def chunk(t, carry):
        base = pl.multiple_of(wid * _EP + t * _KA, 8)
        pltpu.sync_copy(src_hbm.at[pl.ds(base, _KA)], src_v)
        pltpu.sync_copy(dst_hbm.at[pl.ds(base, _KA)], dst_v)
        pltpu.sync_copy(w_hbm.at[pl.ds(base, _KA)], w_v)
        pltpu.async_copy(x_hbm.at[src_v], rows_v, sem).wait()

        def scale(r, carry2):
            wv = plsc.load_gather(w_v, [jnp.full((16,), r, jnp.int32)])
            for k in range(F // 16):
                sl = pl.ds(16 * k, 16)
                rows_v[r, sl] = rows_v[r, sl] * wv
            return carry2

        lax.fori_loop(0, _KA, scale, 0)
        pltpu.sync_copy(rows_v, agg_sp.at[dst_v], add=True)
        return carry

    lax.fori_loop(0, _EP // _KA, chunk, 0)

    plsc.subcore_barrier()
    pltpu.sync_copy(agg_sp.at[pl.ds(sid * _NROWS, _NROWS)],
                    out_hbm.at[cid, pl.ds(sid * _NROWS, _NROWS)])


def _agg_stage(src, dst, edge_weight, x, zrow):
    k = pl.kernel(
        _agg_body,
        out_type=jax.ShapeDtypeStruct((_NC, _NP, F), jnp.float32),
        mesh=_sc_mesh(),
        compiler_params=pltpu.CompilerParams(needs_layout_passes=False),
        scratch_types=[
            pltpu.VMEM((_KA,), jnp.int32),
            pltpu.VMEM((_KA,), jnp.int32),
            pltpu.VMEM((_KA,), jnp.float32),
            pltpu.VMEM((_KA, F), jnp.float32),
            pltpu.VMEM_SHARED((_NP, F), jnp.float32),
            pltpu.SemaphoreType.DMA,
        ],
    )
    return k(src, dst, edge_weight, x, zrow)

_A = N * N
_APAD = _A + 128
_ZBLK = 2_000_000


_ZBLK = 1 << 22


def _zero_body(out_ref):
    out_ref[...] = jnp.zeros((_ZBLK,), jnp.float32)


def _zero_stage():
    return pl.pallas_call(
        _zero_body,
        grid=(-(-_APAD // _ZBLK),),
        out_specs=pl.BlockSpec((_ZBLK,), lambda i: (i,)),
        out_shape=jax.ShapeDtypeStruct((_APAD,), jnp.float32),
    )()


def _woff(i, k):
    return jnp.minimum(16 * i, k - 16)


def _nwin(k):
    return -(-k // 16)


def _edge_flat(src_v, dst_v, f_v, k):
    def step(i, carry):
        sl = pl.ds(_woff(i, k), 16)
        f_v[sl] = src_v[sl] * N + dst_v[sl]
        return carry
    lax.fori_loop(0, _nwin(k), step, 0)


def _ids_body(src_hbm, dst_hbm, adj_ref,
              src_v, dst_v, f_v, vals_v, sem):
    cid = lax.axis_index("c")
    sid = lax.axis_index("s")
    wid = sid * _NC + cid

    def chunk(t, carry):
        base = pl.multiple_of(wid * _EP + t * _KI, 8)
        pltpu.sync_copy(src_hbm.at[pl.ds(base, _KI)], src_v)
        pltpu.sync_copy(dst_hbm.at[pl.ds(base, _KI)], dst_v)
        _edge_flat(src_v, dst_v, f_v, _KI)

        def wrt(i, carry2):
            off = _woff(i, _KI)
            sl = pl.ds(off, 16)
            eid = lax.iota(jnp.int32, 16) + (base + off)
            vals_v[sl] = eid.astype(jnp.float32)
            return carry2
        lax.fori_loop(0, _nwin(_KI), wrt, 0)
        pltpu.sync_copy(vals_v, adj_ref.at[f_v])
        return carry

    lax.fori_loop(0, _EP // _KI, chunk, 0)


def _ids_stage(src, dst, adj_ref):
    k = pl.kernel(
        _ids_body,
        out_type=(),
        mesh=_sc_mesh(),
        compiler_params=pltpu.CompilerParams(needs_layout_passes=False),
        scratch_types=[
            pltpu.VMEM((_KI,), jnp.int32),
            pltpu.VMEM((_KI,), jnp.int32),
            pltpu.VMEM((_KI,), jnp.int32),
            pltpu.VMEM((_KI,), jnp.float32),
            pltpu.SemaphoreType.DMA,
        ],
    )
    return k(src, dst, adj_ref)


_CNT_STRIPE = E // _NS


def _cnt_body(src_hbm, dst_hbm, s_hbm, adj_ref, cnt_out, nd_out,
              src_v, dst_v, f_v, g_v, gi_v, ones_v, zv,
              ssrc_v, sdst_v, acc_v, cnt_sp, sem):
    cid = lax.axis_index("c")
    sid = lax.axis_index("s")
    wid = sid * _NC + cid

    def zfill(i, carry):
        zv[pl.ds(16 * i, 16)] = jnp.zeros((16,), jnp.float32)
        return carry
    lax.fori_loop(0, 2000 // 16, zfill, 0)

    def zcp(j, carry):
        pltpu.sync_copy(zv, cnt_sp.at[pl.ds(sid * _CNT_STRIPE + j * 2000, 2000)])
        return carry
    lax.fori_loop(0, _CNT_STRIPE // 2000, zcp, 0)

    def one(i, carry):
        ones_v[pl.ds(_woff(i, _KC), 16)] = jnp.full((16,), 1.0, jnp.float32)
        return carry
    lax.fori_loop(0, _nwin(_KC), one, 0)
    plsc.subcore_barrier()

    def chunk(t, carry):
        nacc, dacc = carry
        base = pl.multiple_of(wid * _EP + t * _KC, 8)
        pltpu.sync_copy(src_hbm.at[pl.ds(base, _KC)], src_v)
        pltpu.sync_copy(dst_hbm.at[pl.ds(base, _KC)], dst_v)
        _edge_flat(src_v, dst_v, f_v, _KC)
        g = pltpu.async_copy(adj_ref.at[f_v], g_v, sem)
        a = pltpu.async_copy(s_hbm.at[src_v], ssrc_v, sem)
        b = pltpu.async_copy(s_hbm.at[dst_v], sdst_v, sem)
        g.wait()

        def conv(i, carry2):
            sl = pl.ds(_woff(i, _KC), 16)
            gi_v[sl] = g_v[sl].astype(jnp.int32)
            return carry2
        lax.fori_loop(0, _nwin(_KC), conv, 0)
        pltpu.sync_copy(ones_v, cnt_sp.at[gi_v], add=True)
        a.wait()
        b.wait()

        def red(r, carry2):
            na, da = carry2
            sa = ssrc_v[r, pl.ds(0, C)]
            sb = sdst_v[r, pl.ds(0, C)]
            return na + sa * sb, da + sa * sa
        nacc, dacc = lax.fori_loop(0, _KC, red, (nacc, dacc))
        return nacc, dacc

    z16 = jnp.zeros((16,), jnp.float32)
    nacc, dacc = lax.fori_loop(0, _EP // _KC, chunk, (z16, z16))
    acc_v[pl.ds(0, 16)] = nacc
    acc_v[pl.ds(16, 16)] = dacc
    pltpu.sync_copy(acc_v, nd_out.at[wid, 0])
    plsc.subcore_barrier()

    def dump(j, carry):
        pltpu.sync_copy(cnt_sp.at[pl.ds(sid * _CNT_STRIPE + j * 2000, 2000)], zv)
        pltpu.sync_copy(zv, cnt_out.at[cid, sid, j, 0])
        return carry
    lax.fori_loop(0, _CNT_STRIPE // 2000, dump, 0)


def _cnt_stage(src, dst, s_pad, adj_ref):
    k = pl.kernel(
        _cnt_body,
        out_type=[
            jax.ShapeDtypeStruct((_NC, _NS, _CNT_STRIPE // 2000, 1, 2000), jnp.float32),
            jax.ShapeDtypeStruct((_NW, 1, 32), jnp.float32),
        ],
        mesh=_sc_mesh(),
        compiler_params=pltpu.CompilerParams(needs_layout_passes=False),
        scratch_types=[
            pltpu.VMEM((_KC,), jnp.int32),
            pltpu.VMEM((_KC,), jnp.int32),
            pltpu.VMEM((_KC,), jnp.int32),
            pltpu.VMEM((_KC,), jnp.float32),
            pltpu.VMEM((_KC,), jnp.int32),
            pltpu.VMEM((_KC,), jnp.float32),
            pltpu.VMEM((2000,), jnp.float32),
            pltpu.VMEM((_KC, F), jnp.float32),
            pltpu.VMEM((_KC, F), jnp.float32),
            pltpu.VMEM((32,), jnp.float32),
            pltpu.VMEM_SHARED((E,), jnp.float32),
            pltpu.SemaphoreType.DMA,
        ],
    )
    return k(src, dst, s_pad, adj_ref)


def _fin_body(src_hbm, dst_hbm, ct_hbm, adj_ref,
              src_v, dst_v, f_v, c_v, sem):
    cid = lax.axis_index("c")
    sid = lax.axis_index("s")
    wid = sid * _NC + cid

    def chunk(t, carry):
        base = pl.multiple_of(wid * _EP + t * _KI, 8)
        pltpu.sync_copy(src_hbm.at[pl.ds(base, _KI)], src_v)
        pltpu.sync_copy(dst_hbm.at[pl.ds(base, _KI)], dst_v)
        pltpu.sync_copy(ct_hbm.at[pl.ds(base, _KI)], c_v)
        _edge_flat(src_v, dst_v, f_v, _KI)

        def msk(i, carry2):
            sl = pl.ds(_woff(i, _KI), 16)
            f_v[sl] = jnp.where(c_v[sl] > 0.0, f_v[sl],
                                jnp.full((16,), _A, jnp.int32))
            return carry2
        lax.fori_loop(0, _nwin(_KI), msk, 0)
        pltpu.sync_copy(c_v, adj_ref.at[f_v])
        return carry

    lax.fori_loop(0, _EP // _KI, chunk, 0)


def _fin_stage(src, dst, cnt_total, adj_ref):
    k = pl.kernel(
        _fin_body,
        out_type=(),
        mesh=_sc_mesh(),
        compiler_params=pltpu.CompilerParams(needs_layout_passes=False),
        scratch_types=[
            pltpu.VMEM((_KI,), jnp.int32),
            pltpu.VMEM((_KI,), jnp.int32),
            pltpu.VMEM((_KI,), jnp.int32),
            pltpu.VMEM((_KI,), jnp.float32),
            pltpu.SemaphoreType.DMA,
        ],
    )
    return k(src, dst, cnt_total, adj_ref)


_BLK = 1000


def _dense_body(x_ref, agg0_ref, agg1_ref, wrelT_ref, wrootT_ref, wmlpT_ref,
                brel_ref, bmlp_ref, s_ref, spad_ref, ssT_ref):
    i = pl.program_id(0)
    agg = agg0_ref[...] + agg1_ref[...]
    h = jnp.dot(agg, wrelT_ref[...], preferred_element_type=jnp.float32)
    h = h + brel_ref[...]
    h = h + jnp.dot(x_ref[...], wrootT_ref[...], preferred_element_type=jnp.float32)
    h = jnp.maximum(h, 0.0)
    sl = jnp.dot(h, wmlpT_ref[...], preferred_element_type=jnp.float32) + bmlp_ref[...]
    m = jnp.max(sl, axis=-1, keepdims=True)
    e = jnp.exp(sl - m)
    p = e / jnp.sum(e, axis=-1, keepdims=True)
    s_ref[...] = p
    spad_ref[...] = jnp.concatenate(
        [p, jnp.zeros((_BLK, F - C), jnp.float32)], axis=1)
    blk = jax.lax.dot_general(p, p, (((0,), (0,)), ((), ())),
                              preferred_element_type=jnp.float32)

    @pl.when(i == 0)
    def _():
        ssT_ref[...] = blk

    @pl.when(i != 0)
    def _():
        ssT_ref[...] += blk


def _dense_stage(x, agg0, agg1, W1_rel, b1_rel, W1_root, W_mlp, b_mlp):
    grid = (N // _BLK,)
    full = lambda shape: pl.BlockSpec(shape, lambda i: (0, 0))
    row = lambda shape: pl.BlockSpec(shape, lambda i: (i, 0))
    return pl.pallas_call(
        _dense_body,
        grid=grid,
        in_specs=[
            row((_BLK, F)),
            row((_BLK, F)),
            row((_BLK, F)),
            full((F, H)),
            full((F, H)),
            full((H, C)),
            full((1, H)),
            full((1, C)),
        ],
        out_specs=[row((_BLK, C)), row((_BLK, F)), full((C, C))],
        out_shape=[
            jax.ShapeDtypeStruct((N, C), jnp.float32),
            jax.ShapeDtypeStruct((N, F), jnp.float32),
            jax.ShapeDtypeStruct((C, C), jnp.float32),
        ],
    )(x, agg0, agg1, W1_rel.T, W1_root.T, W_mlp.T, b1_rel.reshape(1, H),
      b_mlp.reshape(1, C))


def _csum_body(c_ref, out_ref):
    out_ref[...] = c_ref[0] + c_ref[1]


def _csum_stage(cnt):
    return pl.pallas_call(
        _csum_body,
        out_shape=jax.ShapeDtypeStruct((E,), jnp.float32),
    )(cnt)


def _scalar_body(ssT_ref, nd_ref, mc_ref, o_ref):
    ss = ssT_ref[...]
    ssn = jnp.sqrt(jnp.sum(ss * ss))
    r = jax.lax.broadcasted_iota(jnp.int32, (C, C), 0)
    c = jax.lax.broadcasted_iota(jnp.int32, (C, C), 1)
    eye = jnp.where(r == c, 1.0, 0.0)
    diff = ss / ssn - eye / jnp.sqrt(jnp.float32(C))
    o_ref[...] = jnp.sqrt(jnp.sum(diff * diff)).reshape(1, 1)
    nd = nd_ref[...]
    num = jnp.sum(nd[:, :16])
    den = jnp.sum(nd[:, 16:])
    mc_ref[...] = (-(num / den)).reshape(1, 1)


def _scalar_stage(ssT, nd):
    mc, o = pl.pallas_call(
        _scalar_body,
        out_shape=[
            jax.ShapeDtypeStruct((1, 1), jnp.float32),
            jax.ShapeDtypeStruct((1, 1), jnp.float32),
        ],
    )(ssT, nd.reshape(_NW, 32))
    return mc.reshape(()), o.reshape(())


def kernel(x, edge_index, edge_weight, W1_rel, b1_rel, W1_root, W_mlp, b_mlp):
    src = edge_index[0]
    dst = edge_index[1]

    zrow = jnp.zeros((_NROWS, F), jnp.float32)
    aggp = _agg_stage(src, dst, edge_weight, x, zrow)

    s_soft, s_pad, ssT = _dense_stage(x, aggp[0, :N], aggp[1, :N], W1_rel,
                                      b1_rel, W1_root, W_mlp, b_mlp)

    adj_ref = jax.new_ref(_zero_stage())
    _ids_stage(src, dst, adj_ref)
    cnt, nd = _cnt_stage(src, dst, s_pad, adj_ref)
    cnt_total = _csum_stage(cnt.reshape(_NC, E))
    _fin_stage(src, dst, cnt_total, adj_ref)
    adj = jax.freeze(adj_ref)

    mc_loss, o_loss = _scalar_stage(ssT, nd)

    return (s_soft, mc_loss, o_loss, adj[:_A].reshape(1, N, N))

# --- scband reference (transcript-rebuilt; emitter-appended) ---
"""Pipeline reference for scband-scn-25589415149638 (READ-ONLY COPY).

The authoritative reference and input builder live on the scoring server;
editing this copy changes nothing except your own understanding.
"""

import jax, jax.numpy as jnp
import numpy as np

N = 10000
E = 160000
F = 128
H = 128
C = 16


def setup_inputs(seed: int = 0) -> dict:
    key = jax.random.key(seed)
    ks = jax.random.split(key, 8)
    x = jax.random.normal(ks[0], (N, F), dtype=jnp.float32)
    edge_index = jax.random.randint(ks[1], (2, E), 0, N, dtype=jnp.int32)
    edge_weight = jax.random.uniform(ks[2], (E,), dtype=jnp.float32)
    # GraphConv(128 -> 128): lin_rel (with bias) applied to aggregated messages, lin_root (no bias) applied to x
    W1_rel = jax.random.normal(ks[3], (H, F), dtype=jnp.float32) * (1.0 / np.sqrt(F))
    b1_rel = jnp.zeros((H,), dtype=jnp.float32)
    W1_root = jax.random.normal(ks[4], (H, F), dtype=jnp.float32) * (1.0 / np.sqrt(F))
    # mlp: single Linear(128 -> num_clusters)
    W_mlp = jax.random.normal(ks[5], (C, H), dtype=jnp.float32) * (1.0 / np.sqrt(H))
    b_mlp = jnp.zeros((C,), dtype=jnp.float32)
    return {"x": x, "edge_index": edge_index, "edge_weight": edge_weight,
            "W1_rel": W1_rel, "b1_rel": b1_rel, "W1_root": W1_root,
            "W_mlp": W_mlp, "b_mlp": b_mlp}


def _graph_conv(x, src, dst, edge_weight, W_rel, b_rel, W_root):
    # PyG GraphConv (aggr='add'): out = lin_rel(sum_{j in N(i)} w_ji * x_j) + lin_root(x_i)
    msg = x[src] * edge_weight[:, None]
    agg = jax.ops.segment_sum(msg, dst, num_segments=N)
    return agg @ W_rel.T + b_rel + x @ W_root.T


def _dense_mincut_pool(x_b, adj_b, s_b):
    s = jax.nn.softmax(s_b, axis=-1)
    out = jnp.einsum('bnc,bnf->bcf', s, x_b)
    tmp = jnp.einsum('bnm,bmc->bnc', adj_b, s)
    out_adj = jnp.einsum('bnc,bnk->bck', s, tmp)
    mincut_num = jnp.einsum('bii->b', out_adj)
    d_flat = jnp.sum(adj_b, axis=-1)
    mincut_den = jnp.einsum('bn,bnc,bnc->b', d_flat, s, s)
    mincut_loss = -jnp.mean(mincut_num / mincut_den)
    ss = jnp.einsum('bnc,bnk->bck', s, s)
    ss_norm = jnp.sqrt(jnp.sum(ss * ss, axis=(-1, -2), keepdims=True))
    i_s = jnp.eye(C, dtype=jnp.float32)
    i_s_norm = jnp.sqrt(jnp.sum(i_s * i_s))
    diff = ss / ss_norm - i_s[None] / i_s_norm
    ortho_loss = jnp.mean(jnp.sqrt(jnp.sum(diff * diff, axis=(-1, -2))))
    return out, out_adj, mincut_loss, ortho_loss


def reference(x, edge_index, edge_weight, W1_rel, b1_rel, W1_root, W_mlp, b_mlp):
    src = edge_index[0]
    dst = edge_index[1]
    h = _graph_conv(x, src, dst, edge_weight, W1_rel, b1_rel, W1_root)
    h = jax.nn.relu(h)
    s = h @ W_mlp.T + b_mlp
    # to_dense_adj(edge_index): scatter ones into dense [1, N, N]
    adj = jnp.zeros((N, N), dtype=jnp.float32).at[src, dst].add(1.0)
    adj_b = adj[None]
    _, _, mc_loss, o_loss = _dense_mincut_pool(h[None], adj_b, s[None])
    return (jax.nn.softmax(s, axis=-1), mc_loss, o_loss, adj_b)

if __name__ == "__main__":
    import jax
    _d = setup_inputs()
    print(jax.jit(kernel)(*tuple(_d.values())))

</pallas_src>

<mosaic_0001>
#map = affine_map<(d0, d1) -> (0)>
module attributes {stable_mosaic.version = 14 : i64} {
  func.func @new_body(%arg0: i32, %arg1: i32, %arg2: memref<160000xi32, #tpu.memory_space<hbm>>, %arg3: memref<160000xi32, #tpu.memory_space<hbm>>, %arg4: memref<100000128xf32, #tpu.memory_space<hbm>>, %arg5: memref<100000128xf32, #tpu.memory_space<hbm>>, %arg6: memref<200xi32, #tpu.memory_space<vmem>>, %arg7: memref<200xi32, #tpu.memory_space<vmem>>, %arg8: memref<200xi32, #tpu.memory_space<vmem>>, %arg9: memref<200xf32, #tpu.memory_space<vmem>>, %arg10: memref<!tpu.dma_semaphore, #tpu.memory_space<semaphore_mem>>) attributes {dimension_semantics = [#tpu.dimension_semantics<core_parallel>, #tpu.dimension_semantics<subcore_parallel>], iteration_bounds = array<i64: 2, 16>, scalar_prefetch = 0 : i64, scratch_operands = 5 : i64, tpu.core_type = #tpu.core_type<sc_vector_subcore>, window_params = [{transform_indices = #map}, {transform_indices = #map}, {transform_indices = #map}, {transform_indices = #map}]} {
    %mul3A = arith.constant 2 : i32
    %mul3A_0 = arith.muli %arg1, %mul3A : i32
    %add3A = arith.addi %mul3A_0, %arg0 : i32
    %scan3A = arith.constant 0 : i32
    %scan3A_1 = arith.constant 0 : i32
    %scan3A_2 = arith.constant 25 : i32
    %scan3A_3 = arith.addi %scan3A_1, %scan3A_2 : i32
    %scan3A_4 = arith.constant 1 : i32
    scf.for %scan3A_6 = %scan3A_1 to %scan3A_3 step %scan3A_4  : i32 {
      %mul3A_7 = arith.constant 5000 : i32
      %mul3A_8 = arith.muli %add3A, %mul3A_7 : i32
      %mul3A_9 = arith.constant 200 : i32
      %mul3A_10 = arith.muli %scan3A_6, %mul3A_9 : i32
      %add3A_11 = arith.addi %mul3A_8, %mul3A_10 : i32
      %multiple_of3A = tpu.assume_multiple %add3A_11, 8 : i32
      "tpu.region"() ({
        %run_scoped3A = tpu.sem_alloc : memref<!tpu.dma_semaphore, #tpu.memory_space<semaphore_mem>>
        %dma_start3A = tpu.memref_slice %arg2[%multiple_of3A] : memref<160000xi32, #tpu.memory_space<hbm>> -> memref<200xi32, #tpu.memory_space<hbm>>
        %dma_start3A_24 = tpu.memref_slice %arg2[%multiple_of3A] : memref<160000xi32, #tpu.memory_space<hbm>> -> memref<200xi32, #tpu.memory_space<hbm>>
        tpu.enqueue_dma source(%dma_start3A_24 : memref<200xi32, #tpu.memory_space<hbm>>) target(%arg6 : memref<200xi32, #tpu.memory_space<vmem>>) target_semaphore(%run_scoped3A : memref<!tpu.dma_semaphore, #tpu.memory_space<semaphore_mem>>)
        %dma_wait3A = tpu.memref_slice %arg2[%multiple_of3A] : memref<160000xi32, #tpu.memory_space<hbm>> -> memref<200xi32, #tpu.memory_space<hbm>>
        %dma_wait3A_25 = tpu.memref_slice %arg2[%multiple_of3A] : memref<160000xi32, #tpu.memory_space<hbm>> -> memref<200xi32, #tpu.memory_space<hbm>>
        tpu.wait_dma2 semaphore(%run_scoped3A : memref<!tpu.dma_semaphore, #tpu.memory_space<semaphore_mem>>) src(%dma_wait3A_25 : memref<200xi32, #tpu.memory_space<hbm>>) dst(%arg6 : memref<200xi32, #tpu.memory_space<vmem>>)
        tpu.yield
      }) : () -> ()
      "tpu.region"() ({
        %run_scoped3A = tpu.sem_alloc : memref<!tpu.dma_semaphore, #tpu.memory_space<semaphore_mem>>
        %dma_start3A = tpu.memref_slice %arg3[%multiple_of3A] : memref<160000xi32, #tpu.memory_space<hbm>> -> memref<200xi32, #tpu.memory_space<hbm>>
        %dma_start3A_24 = tpu.memref_slice %arg3[%multiple_of3A] : memref<160000xi32, #tpu.memory_space<hbm>> -> memref<200xi32, #tpu.memory_space<hbm>>
        tpu.enqueue_dma source(%dma_start3A_24 : memref<200xi32, #tpu.memory_space<hbm>>) target(%arg7 : memref<200xi32, #tpu.memory_space<vmem>>) target_semaphore(%run_scoped3A : memref<!tpu.dma_semaphore, #tpu.memory_space<semaphore_mem>>)
        %dma_wait3A = tpu.memref_slice %arg3[%multiple_of3A] : memref<160000xi32, #tpu.memory_space<hbm>> -> memref<200xi32, #tpu.memory_space<hbm>>
        %dma_wait3A_25 = tpu.memref_slice %arg3[%multiple_of3A] : memref<160000xi32, #tpu.memory_space<hbm>> -> memref<200xi32, #tpu.memory_space<hbm>>
        tpu.wait_dma2 semaphore(%run_scoped3A : memref<!tpu.dma_semaphore, #tpu.memory_space<semaphore_mem>>) src(%dma_wait3A_25 : memref<200xi32, #tpu.memory_space<hbm>>) dst(%arg7 : memref<200xi32, #tpu.memory_space<vmem>>)
        tpu.yield
      }) : () -> ()
      %scan3A_12 = arith.constant 0 : i32
      %scan3A_13 = arith.constant 0 : i32
      %scan3A_14 = arith.constant 13 : i32
      %scan3A_15 = arith.addi %scan3A_13, %scan3A_14 : i32
      %scan3A_16 = arith.constant 1 : i32
      scf.for %scan3A_24 = %scan3A_13 to %scan3A_15 step %scan3A_16  : i32 {
        %mul3A_25 = arith.constant 16 : i32
        %mul3A_26 = arith.muli %mul3A_25, %scan3A_24 : i32
        %min3A = arith.constant 184 : i32
        %min3A_27 = arith.minsi %mul3A_26, %min3A : i32
        %get3A = arith.index_cast %min3A_27 : i32 to index
        %get3A_28 = tpu.vector_load %arg6[%get3A] {strides = array<i32>} : memref<200xi32, #tpu.memory_space<vmem>>, vector<16xi32>,
        %mul3A_29 = arith.constant 10000 : i32
        %mul3A_30 = vector.broadcast %mul3A_29 : i32 to vector<16xi32>
        %mul3A_31 = arith.muli %get3A_28, %mul3A_30 : vector<16xi32>
        %get3A_32 = arith.index_cast %min3A_27 : i32 to index
        %get3A_33 = tpu.vector_load %arg7[%get3A_32] {strides = array<i32>} : memref<200xi32, #tpu.memory_space<vmem>>, vector<16xi32>,
        %add3A_34 = arith.addi %mul3A_31, %get3A_33 : vector<16xi32>
        %swap3A = arith.index_cast %min3A_27 : i32 to index
        %swap3A_35 = tpu.vector_load %arg8[%swap3A] {strides = array<i32>} : memref<200xi32, #tpu.memory_space<vmem>>, vector<16xi32>,
        tpu.vector_store %arg8[%swap3A], %add3A_34 {strides = array<i32>} : memref<200xi32, #tpu.memory_space<vmem>>, vector<16xi32>,
      }
      %scan3A_17 = arith.constant 13 : i32
      %scan3A_18 = arith.constant 0 : i32
      %scan3A_19 = arith.constant 0 : i32
      %scan3A_20 = arith.constant 13 : i32
      %scan3A_21 = arith.addi %scan3A_19, %scan3A_20 : i32
      %scan3A_22 = arith.constant 1 : i32
      scf.for %scan3A_24 = %scan3A_19 to %scan3A_21 step %scan3A_22  : i32 {
        %mul3A_25 = arith.constant 16 : i32
        %mul3A_26 = arith.muli %mul3A_25, %scan3A_24 : i32
        %min3A = arith.constant 184 : i32
        %min3A_27 = arith.minsi %mul3A_26, %min3A : i32
        %iota3A = tpu.iota {dimensions = array<i32: 0>} : vector<16xi32>
        %add3A_28 = arith.addi %multiple_of3A, %min3A_27 : i32
        %add3A_29 = vector.broadcast %add3A_28 : i32 to vector<16xi32>
        %add3A_30 = arith.addi %iota3A, %add3A_29 : vector<16xi32>
        %convert_element_type3A = arith.sitofp %add3A_30 : vector<16xi32> to vector<16xf32>
        %swap3A = arith.index_cast %min3A_27 : i32 to index
        %swap3A_31 = tpu.vector_load %arg9[%swap3A] {strides = array<i32>} : memref<200xf32, #tpu.memory_space<vmem>>, vector<16xf32>,
        tpu.vector_store %arg9[%swap3A], %convert_element_type3A {strides = array<i32>} : memref<200xf32, #tpu.memory_space<vmem>>, vector<16xf32>,
      }
      %scan3A_23 = arith.constant 13 : i32
      "tpu.region"() ({
        %run_scoped3A = tpu.sem_alloc : memref<!tpu.dma_semaphore, #tpu.memory_space<semaphore_mem>>
        %dma_start3A = arith.constant 0 : i32
        %dma_start3A_24 = tpu.memref_slice %arg4[%dma_start3A] : memref<100000128xf32, #tpu.memory_space<hbm>> -> memref<100000128xf32, #tpu.memory_space<hbm>>
        tpu.enqueue_indirect_dma source(%arg9 : memref<200xf32, #tpu.memory_space<vmem>>) target(%dma_start3A_24 : memref<100000128xf32, #tpu.memory_space<hbm>>) offsets(%arg8 : memref<200xi32, #tpu.memory_space<vmem>>) semaphore(%run_scoped3A : memref<!tpu.dma_semaphore, #tpu.memory_space<semaphore_mem>>)
        %dma_wait3A = arith.constant 0 : i32
        %dma_wait3A_25 = tpu.memref_slice %arg4[%dma_wait3A] : memref<100000128xf32, #tpu.memory_space<hbm>> -> memref<100000128xf32, #tpu.memory_space<hbm>>
        tpu.wait_indirect_dma semaphore(%run_scoped3A : memref<!tpu.dma_semaphore, #tpu.memory_space<semaphore_mem>>) src(%arg9 : memref<200xf32, #tpu.memory_space<vmem>>) dst(%dma_wait3A_25 : memref<100000128xf32, #tpu.memory_space<hbm>>)
        tpu.yield
      }) : () -> ()
    }
    %scan3A_5 = arith.constant 25 : i32
    return
  }
}

#map = affine_map<(d0, d1) -> (0)>
module attributes {stable_mosaic.version = 14 : i64} {
  func.func @new_body(%arg0: i32, %arg1: i32, %arg2: memref<160000xi32, #tpu.memory_space<hbm>>, %arg3: memref<160000xi32, #tpu.memory_space<hbm>>, %arg4: memref<160000xf32, #tpu.memory_space<hbm>>, %arg5: memref<100000128xf32, #tpu.memory_space<hbm>>, %arg6: memref<100000128xf32, #tpu.memory_space<hbm>>, %arg7: memref<200xi32, #tpu.memory_space<vmem>>, %arg8: memref<200xi32, #tpu.memory_space<vmem>>, %arg9: memref<200xi32, #tpu.memory_space<vmem>>, %arg10: memref<200xf32, #tpu.memory_space<vmem>>, %arg11: memref<!tpu.dma_semaphore, #tpu.memory_space<semaphore_mem>>) attributes {dimension_semantics = [#tpu.dimension_semantics<core_parallel>, #tpu.dimension_semantics<subcore_parallel>], iteration_bounds = array<i64: 2, 16>, scalar_prefetch = 0 : i64, scratch_operands = 5 : i64, tpu.core_type = #tpu.core_type<sc_vector_subcore>, window_params = [{transform_indices = #map}, {transform_indices = #map}, {transform_indices = #map}, {transform_indices = #map}, {transform_indices = #map}]} {
    %mul3A = arith.constant 2 : i32
    %mul3A_0 = arith.muli %arg1, %mul3A : i32
    %add3A = arith.addi %mul3A_0, %arg0 : i32
    %scan3A = arith.constant 0 : i32
    %scan3A_1 = arith.constant 0 : i32
    %scan3A_2 = arith.constant 25 : i32
    %scan3A_3 = arith.addi %scan3A_1, %scan3A_2 : i32
    %scan3A_4 = arith.constant 1 : i32
    scf.for %scan3A_6 = %scan3A_1 to %scan3A_3 step %scan3A_4  : i32 {
      %mul3A_7 = arith.constant 5000 : i32
      %mul3A_8 = arith.muli %add3A, %mul3A_7 : i32
      %mul3A_9 = arith.constant 200 : i32
      %mul3A_10 = arith.muli %scan3A_6, %mul3A_9 : i32
      %add3A_11 = arith.addi %mul3A_8, %mul3A_10 : i32
      %multiple_of3A = tpu.assume_multiple %add3A_11, 8 : i32
      "tpu.region"() ({
        %run_scoped3A = tpu.sem_alloc : memref<!tpu.dma_semaphore, #tpu.memory_space<semaphore_mem>>
        %dma_start3A = tpu.memref_slice %arg2[%multiple_of3A] : memref<160000xi32, #tpu.memory_space<hbm>> -> memref<200xi32, #tpu.memory_space<hbm>>
        %dma_start3A_24 = tpu.memref_slice %arg2[%multiple_of3A] : memref<160000xi32, #tpu.memory_space<hbm>> -> memref<200xi32, #tpu.memory_space<hbm>>
        tpu.enqueue_dma source(%dma_start3A_24 : memref<200xi32, #tpu.memory_space<hbm>>) target(%arg7 : memref<200xi32, #tpu.memory_space<vmem>>) target_semaphore(%run_scoped3A : memref<!tpu.dma_semaphore, #tpu.memory_space<semaphore_mem>>)
        %dma_wait3A = tpu.memref_slice %arg2[%multiple_of3A] : memref<160000xi32, #tpu.memory_space<hbm>> -> memref<200xi32, #tpu.memory_space<hbm>>
        %dma_wait3A_25 = tpu.memref_slice %arg2[%multiple_of3A] : memref<160000xi32, #tpu.memory_space<hbm>> -> memref<200xi32, #tpu.memory_space<hbm>>
        tpu.wait_dma2 semaphore(%run_scoped3A : memref<!tpu.dma_semaphore, #tpu.memory_space<semaphore_mem>>) src(%dma_wait3A_25 : memref<200xi32, #tpu.memory_space<hbm>>) dst(%arg7 : memref<200xi32, #tpu.memory_space<vmem>>)
        tpu.yield
      }) : () -> ()
      "tpu.region"() ({
        %run_scoped3A = tpu.sem_alloc : memref<!tpu.dma_semaphore, #tpu.memory_space<semaphore_mem>>
        %dma_start3A = tpu.memref_slice %arg3[%multiple_of3A] : memref<160000xi32, #tpu.memory_space<hbm>> -> memref<200xi32, #tpu.memory_space<hbm>>
        %dma_start3A_24 = tpu.memref_slice %arg3[%multiple_of3A] : memref<160000xi32, #tpu.memory_space<hbm>> -> memref<200xi32, #tpu.memory_space<hbm>>
        tpu.enqueue_dma source(%dma_start3A_24 : memref<200xi32, #tpu.memory_space<hbm>>) target(%arg8 : memref<200xi32, #tpu.memory_space<vmem>>) target_semaphore(%run_scoped3A : memref<!tpu.dma_semaphore, #tpu.memory_space<semaphore_mem>>)
        %dma_wait3A = tpu.memref_slice %arg3[%multiple_of3A] : memref<160000xi32, #tpu.memory_space<hbm>> -> memref<200xi32, #tpu.memory_space<hbm>>
        %dma_wait3A_25 = tpu.memref_slice %arg3[%multiple_of3A] : memref<160000xi32, #tpu.memory_space<hbm>> -> memref<200xi32, #tpu.memory_space<hbm>>
        tpu.wait_dma2 semaphore(%run_scoped3A : memref<!tpu.dma_semaphore, #tpu.memory_space<semaphore_mem>>) src(%dma_wait3A_25 : memref<200xi32, #tpu.memory_space<hbm>>) dst(%arg8 : memref<200xi32, #tpu.memory_space<vmem>>)
        tpu.yield
      }) : () -> ()
      "tpu.region"() ({
        %run_scoped3A = tpu.sem_alloc : memref<!tpu.dma_semaphore, #tpu.memory_space<semaphore_mem>>
        %dma_start3A = tpu.memref_slice %arg4[%multiple_of3A] : memref<160000xf32, #tpu.memory_space<hbm>> -> memref<200xf32, #tpu.memory_space<hbm>>
        %dma_start3A_24 = tpu.memref_slice %arg4[%multiple_of3A] : memref<160000xf32, #tpu.memory_space<hbm>> -> memref<200xf32, #tpu.memory_space<hbm>>
        tpu.enqueue_dma source(%dma_start3A_24 : memref<200xf32, #tpu.memory_space<hbm>>) target(%arg10 : memref<200xf32, #tpu.memory_space<vmem>>) target_semaphore(%run_scoped3A : memref<!tpu.dma_semaphore, #tpu.memory_space<semaphore_mem>>)
        %dma_wait3A = tpu.memref_slice %arg4[%multiple_of3A] : memref<160000xf32, #tpu.memory_space<hbm>> -> memref<200xf32, #tpu.memory_space<hbm>>
        %dma_wait3A_25 = tpu.memref_slice %arg4[%multiple_of3A] : memref<160000xf32, #tpu.memory_space<hbm>> -> memref<200xf32, #tpu.memory_space<hbm>>
        tpu.wait_dma2 semaphore(%run_scoped3A : memref<!tpu.dma_semaphore, #tpu.memory_space<semaphore_mem>>) src(%dma_wait3A_25 : memref<200xf32, #tpu.memory_space<hbm>>) dst(%arg10 : memref<200xf32, #tpu.memory_space<vmem>>)
        tpu.yield
      }) : () -> ()
      %scan3A_12 = arith.constant 0 : i32
      %scan3A_13 = arith.constant 0 : i32
      %scan3A_14 = arith.constant 13 : i32
      %scan3A_15 = arith.addi %scan3A_13, %scan3A_14 : i32
      %scan3A_16 = arith.constant 1 : i32
      scf.for %scan3A_24 = %scan3A_13 to %scan3A_15 step %scan3A_16  : i32 {
        %mul3A_25 = arith.constant 16 : i32
        %mul3A_26 = arith.muli %mul3A_25, %scan3A_24 : i32
        %min3A = arith.constant 184 : i32
        %min3A_27 = arith.minsi %mul3A_26, %min3A : i32
        %get3A = arith.index_cast %min3A_27 : i32 to index
        %get3A_28 = tpu.vector_load %arg7[%get3A] {strides = array<i32>} : memref<200xi32, #tpu.memory_space<vmem>>, vector<16xi32>,
        %mul3A_29 = arith.constant 10000 : i32
        %mul3A_30 = vector.broadcast %mul3A_29 : i32 to vector<16xi32>
        %mul3A_31 = arith.muli %get3A_28, %mul3A_30 : vector<16xi32>
        %get3A_32 = arith.index_cast %min3A_27 : i32 to index
        %get3A_33 = tpu.vector_load %arg8[%get3A_32] {strides = array<i32>} : memref<200xi32, #tpu.memory_space<vmem>>, vector<16xi32>,
        %add3A_34 = arith.addi %mul3A_31, %get3A_33 : vector<16xi32>
        %swap3A = arith.index_cast %min3A_27 : i32 to index
        %swap3A_35 = tpu.vector_load %arg9[%swap3A] {strides = array<i32>} : memref<200xi32, #tpu.memory_space<vmem>>, vector<16xi32>,
        tpu.vector_store %arg9[%swap3A], %add3A_34 {strides = array<i32>} : memref<200xi32, #tpu.memory_space<vmem>>, vector<16xi32>,
      }
      %scan3A_17 = arith.constant 13 : i32
      %scan3A_18 = arith.constant 0 : i32
      %scan3A_19 = arith.constant 0 : i32
      %scan3A_20 = arith.constant 13 : i32
      %scan3A_21 = arith.addi %scan3A_19, %scan3A_20 : i32
      %scan3A_22 = arith.constant 1 : i32
      scf.for %scan3A_24 = %scan3A_19 to %scan3A_21 step %scan3A_22  : i32 {
        %mul3A_25 = arith.constant 16 : i32
        %mul3A_26 = arith.muli %mul3A_25, %scan3A_24 : i32
        %min3A = arith.constant 184 : i32
        %min3A_27 = arith.minsi %mul3A_26, %min3A : i32
        %get3A = arith.index_cast %min3A_27 : i32 to index
        %get3A_28 = tpu.vector_load %arg10[%get3A] {strides = array<i32>} : memref<200xf32, #tpu.memory_space<vmem>>, vector<16xf32>,
        %gt3A = arith.constant 0.000000e+00 : f32
        %gt3A_29 = vector.broadcast %gt3A : f32 to vector<16xf32>
        %gt3A_30 = arith.cmpf ogt, %get3A_28, %gt3A_29 : vector<16xf32>
        %get3A_31 = arith.index_cast %min3A_27 : i32 to index
        %get3A_32 = tpu.vector_load %arg9[%get3A_31] {strides = array<i32>} : memref<200xi32, #tpu.memory_space<vmem>>, vector<16xi32>,
        %broadcast_in_dim3A = arith.constant 100000000 : i32
        %broadcast_in_dim3A_33 = vector.broadcast %broadcast_in_dim3A : i32 to vector<16xi32>
        %select_n3A = arith.select %gt3A_30, %get3A_32, %broadcast_in_dim3A_33 : vector<16xi1>, vector<16xi32>
        %swap3A = arith.index_cast %min3A_27 : i32 to index
        %swap3A_34 = tpu.vector_load %arg9[%swap3A] {strides = array<i32>} : memref<200xi32, #tpu.memory_space<vmem>>, vector<16xi32>,
        tpu.vector_store %arg9[%swap3A], %select_n3A {strides = array<i32>} : memref<200xi32, #tpu.memory_space<vmem>>, vector<16xi32>,
      }
      %scan3A_23 = arith.constant 13 : i32
      "tpu.region"() ({
        %run_scoped3A = tpu.sem_alloc : memref<!tpu.dma_semaphore, #tpu.memory_space<semaphore_mem>>
        %dma_start3A = arith.constant 0 : i32
        %dma_start3A_24 = tpu.memref_slice %arg5[%dma_start3A] : memref<100000128xf32, #tpu.memory_space<hbm>> -> memref<100000128xf32, #tpu.memory_space<hbm>>
        tpu.enqueue_indirect_dma source(%arg10 : memref<200xf32, #tpu.memory_space<vmem>>) target(%dma_start3A_24 : memref<100000128xf32, #tpu.memory_space<hbm>>) offsets(%arg9 : memref<200xi32, #tpu.memory_space<vmem>>) semaphore(%run_scoped3A : memref<!tpu.dma_semaphore, #tpu.memory_space<semaphore_mem>>)
        %dma_wait3A = arith.constant 0 : i32
        %dma_wait3A_25 = tpu.memref_slice %arg5[%dma_wait3A] : memref<100000128xf32, #tpu.memory_space<hbm>> -> memref<100000128xf32, #tpu.memory_space<hbm>>
        tpu.wait_indirect_dma semaphore(%run_scoped3A : memref<!tpu.dma_semaphore, #tpu.memory_space<semaphore_mem>>) src(%arg10 : memref<200xf32, #tpu.memory_space<vmem>>) dst(%dma_wait3A_25 : memref<100000128xf32, #tpu.memory_space<hbm>>)
        tpu.yield
      }) : () -> ()
    }
    %scan3A_5 = arith.constant 25 : i32
    return
  }
}

#map = affine_map<(d0, d1) -> (0)>
#map1 = affine_map<(d0, d1) -> (0, 0)>
#map2 = affine_map<(d0, d1) -> (0, 0, 0)>
module attributes {stable_mosaic.version = 14 : i64} {
  func.func @_agg_body(%arg0: i32, %arg1: i32, %arg2: memref<160000xi32, #tpu.memory_space<hbm>>, %arg3: memref<160000xi32, #tpu.memory_space<hbm>>, %arg4: memref<160000xf32, #tpu.memory_space<hbm>>, %arg5: memref<10000x128xf32, #tpu.memory_space<hbm>>, %arg6: memref<640x128xf32, #tpu.memory_space<hbm>>, %arg7: memref<2x10240x128xf32, #tpu.memory_space<hbm>>, %arg8: memref<200xi32, #tpu.memory_space<vmem>>, %arg9: memref<200xi32, #tpu.memory_space<vmem>>, %arg10: memref<200xf32, #tpu.memory_space<vmem>>, %arg11: memref<200x128xf32, #tpu.memory_space<vmem>>, %arg12: memref<10240x128xf32, #tpu.memory_space<vmem_shared>>, %arg13: memref<!tpu.dma_semaphore, #tpu.memory_space<semaphore_mem>>) attributes {dimension_semantics = [#tpu.dimension_semantics<core_parallel>, #tpu.dimension_semantics<subcore_parallel>], iteration_bounds = array<i64: 2, 16>, scalar_prefetch = 0 : i64, scratch_operands = 6 : i64, tpu.core_type = #tpu.core_type<sc_vector_subcore>, window_params = [{transform_indices = #map}, {transform_indices = #map}, {transform_indices = #map}, {transform_indices = #map1}, {transform_indices = #map1}, {transform_indices = #map2}]} {
    %mul3A = arith.constant 2 : i32
    %mul3A_0 = arith.muli %arg1, %mul3A : i32
    %add3A = arith.addi %mul3A_0, %arg0 : i32
    %mul3A_1 = arith.constant 640 : i32
    %mul3A_2 = arith.muli %arg1, %mul3A_1 : i32
    "tpu.region"() ({
      %run_scoped3A = tpu.sem_alloc : memref<!tpu.dma_semaphore, #tpu.memory_space<semaphore_mem>>
      %dma_start3A = arith.constant 0 : i32
      %dma_start3A_13 = tpu.memref_slice %arg12[%mul3A_2, %dma_start3A] : memref<10240x128xf32, #tpu.memory_space<vmem_shared>> -> memref<640x128xf32, #tpu.memory_space<vmem_shared>>
      tpu.enqueue_dma source(%arg6 : memref<640x128xf32, #tpu.memory_space<hbm>>) target(%dma_start3A_13 : memref<640x128xf32, #tpu.memory_space<vmem_shared>>) target_semaphore(%run_scoped3A : memref<!tpu.dma_semaphore, #tpu.memory_space<semaphore_mem>>)
      %dma_wait3A = arith.constant 0 : i32
      %dma_wait3A_14 = tpu.memref_slice %arg12[%mul3A_2, %dma_wait3A] : memref<10240x128xf32, #tpu.memory_space<vmem_shared>> -> memref<640x128xf32, #tpu.memory_space<vmem_shared>>
      tpu.wait_dma2 semaphore(%run_scoped3A : memref<!tpu.dma_semaphore, #tpu.memory_space<semaphore_mem>>) src(%arg6 : memref<640x128xf32, #tpu.memory_space<hbm>>) dst(%dma_wait3A_14 : memref<640x128xf32, #tpu.memory_space<vmem_shared>>)
      tpu.yield
    }) : () -> ()
    %barrier3A = arith.constant 0 : index
    tpu.barrier barrier_id(%barrier3A)
    %scan3A = arith.constant 0 : i32
    %scan3A_3 = arith.constant 0 : i32
    %scan3A_4 = arith.constant 25 : i32
    %scan3A_5 = arith.addi %scan3A_3, %scan3A_4 : i32
    %scan3A_6 = arith.constant 1 : i32
    scf.for %scan3A_13 = %scan3A_3 to %scan3A_5 step %scan3A_6  : i32 {
      %mul3A_14 = arith.constant 5000 : i32
      %mul3A_15 = arith.muli %add3A, %mul3A_14 : i32
      %mul3A_16 = arith.constant 200 : i32
      %mul3A_17 = arith.muli %scan3A_13, %mul3A_16 : i32
      %add3A_18 = arith.addi %mul3A_15, %mul3A_17 : i32
      %multiple_of3A = tpu.assume_multiple %add3A_18, 8 : i32
      "tpu.region"() ({
        %run_scoped3A = tpu.sem_alloc : memref<!tpu.dma_semaphore, #tpu.memory_space<semaphore_mem>>
        %dma_start3A_29 = tpu.memref_slice %arg2[%multiple_of3A] : memref<160000xi32, #tpu.memory_space<hbm>> -> memref<200xi32, #tpu.memory_space<hbm>>
        %dma_start3A_30 = tpu.memref_slice %arg2[%multiple_of3A] : memref<160000xi32, #tpu.memory_space<hbm>> -> memref<200xi32, #tpu.memory_space<hbm>>
        tpu.enqueue_dma source(%dma_start3A_30 : memref<200xi32, #tpu.memory_space<hbm>>) target(%arg8 : memref<200xi32, #tpu.memory_space<vmem>>) target_semaphore(%run_scoped3A : memref<!tpu.dma_semaphore, #tpu.memory_space<semaphore_mem>>)
        %dma_wait3A_31 = tpu.memref_slice %arg2[%multiple_of3A] : memref<160000xi32, #tpu.memory_space<hbm>> -> memref<200xi32, #tpu.memory_space<hbm>>
        %dma_wait3A_32 = tpu.memref_slice %arg2[%multiple_of3A] : memref<160000xi32, #tpu.memory_space<hbm>> -> memref<200xi32, #tpu.memory_space<hbm>>
        tpu.wait_dma2 semaphore(%run_scoped3A : memref<!tpu.dma_semaphore, #tpu.memory_space<semaphore_mem>>) src(%dma_wait3A_32 : memref<200xi32, #tpu.memory_space<hbm>>) dst(%arg8 : memref<200xi32, #tpu.memory_space<vmem>>)
        tpu.yield
      }) : () -> ()
      "tpu.region"() ({
        %run_scoped3A = tpu.sem_alloc : memref<!tpu.dma_semaphore, #tpu.memory_space<semaphore_mem>>
        %dma_start3A_29 = tpu.memref_slice %arg3[%multiple_of3A] : memref<160000xi32, #tpu.memory_space<hbm>> -> memref<200xi32, #tpu.memory_space<hbm>>
        %dma_start3A_30 = tpu.memref_slice %arg3[%multiple_of3A] : memref<160000xi32, #tpu.memory_space<hbm>> -> memref<200xi32, #tpu.memory_space<hbm>>
        tpu.enqueue_dma source(%dma_start3A_30 : memref<200xi32, #tpu.memory_space<hbm>>) target(%arg9 : memref<200xi32, #tpu.memory_space<vmem>>) target_semaphore(%run_scoped3A : memref<!tpu.dma_semaphore, #tpu.memory_space<semaphore_mem>>)
        %dma_wait3A_31 = tpu.memref_slice %arg3[%multiple_of3A] : memref<160000xi32, #tpu.memory_space<hbm>> -> memref<200xi32, #tpu.memory_space<hbm>>
        %dma_wait3A_32 = tpu.memref_slice %arg3[%multiple_of3A] : memref<160000xi32, #tpu.memory_space<hbm>> -> memref<200xi32, #tpu.memory_space<hbm>>
        tpu.wait_dma2 semaphore(%run_scoped3A : memref<!tpu.dma_semaphore, #tpu.memory_space<semaphore_mem>>) src(%dma_wait3A_32 : memref<200xi32, #tpu.memory_space<hbm>>) dst(%arg9 : memref<200xi32, #tpu.memory_space<vmem>>)
        tpu.yield
      }) : () -> ()
      "tpu.region"() ({
        %run_scoped3A = tpu.sem_alloc : memref<!tpu.dma_semaphore, #tpu.memory_space<semaphore_mem>>
        %dma_start3A_29 = tpu.memref_slice %arg4[%multiple_of3A] : memref<160000xf32, #tpu.memory_space<hbm>> -> memref<200xf32, #tpu.memory_space<hbm>>
        %dma_start3A_30 = tpu.memref_slice %arg4[%multiple_of3A] : memref<160000xf32, #tpu.memory_space<hbm>> -> memref<200xf32, #tpu.memory_space<hbm>>
        tpu.enqueue_dma source(%dma_start3A_30 : memref<200xf32, #tpu.memory_space<hbm>>) target(%arg10 : memref<200xf32, #tpu.memory_space<vmem>>) target_semaphore(%run_scoped3A : memref<!tpu.dma_semaphore, #tpu.memory_space<semaphore_mem>>)
        %dma_wait3A_31 = tpu.memref_slice %arg4[%multiple_of3A] : memref<160000xf32, #tpu.memory_space<hbm>> -> memref<200xf32, #tpu.memory_space<hbm>>
        %dma_wait3A_32 = tpu.memref_slice %arg4[%multiple_of3A] : memref<160000xf32, #tpu.memory_space<hbm>> -> memref<200xf32, #tpu.memory_space<hbm>>
        tpu.wait_dma2 semaphore(%run_scoped3A : memref<!tpu.dma_semaphore, #tpu.memory_space<semaphore_mem>>) src(%dma_wait3A_32 : memref<200xf32, #tpu.memory_space<hbm>>) dst(%arg10 : memref<200xf32, #tpu.memory_space<vmem>>)
        tpu.yield
      }) : () -> ()
      %dma_start3A = arith.constant 0 : i32
      %dma_start3A_19 = arith.constant 0 : i32
      %dma_start3A_20 = tpu.memref_slice %arg5[%dma_start3A, %dma_start3A_19] : memref<10000x128xf32, #tpu.memory_space<hbm>> -> memref<10000x128xf32, #tpu.memory_space<hbm>>
      tpu.enqueue_indirect_dma source(%dma_start3A_20 : memref<10000x128xf32, #tpu.memory_space<hbm>>) target(%arg11 : memref<200x128xf32, #tpu.memory_space<vmem>>) offsets(%arg8 : memref<200xi32, #tpu.memory_space<vmem>>) semaphore(%arg13 : memref<!tpu.dma_semaphore, #tpu.memory_space<semaphore_mem>>)
      %dma_wait3A = arith.constant 0 : i32
      %dma_wait3A_21 = arith.constant 0 : i32
      %dma_wait3A_22 = tpu.memref_slice %arg5[%dma_wait3A, %dma_wait3A_21] : memref<10000x128xf32, #tpu.memory_space<hbm>> -> memref<10000x128xf32, #tpu.memory_space<hbm>>
      tpu.wait_indirect_dma semaphore(%arg13 : memref<!tpu.dma_semaphore, #tpu.memory_space<semaphore_mem>>) src(%dma_wait3A_22 : memref<10000x128xf32, #tpu.memory_space<hbm>>) dst(%arg11 : memref<200x128xf32, #tpu.memory_space<vmem>>)
      %scan3A_23 = arith.constant 0 : i32
      %scan3A_24 = arith.constant 0 : i32
      %scan3A_25 = arith.constant 200 : i32
      %scan3A_26 = arith.addi %scan3A_24, %scan3A_25 : i32
      %scan3A_27 = arith.constant 1 : i32
      scf.for %scan3A_29 = %scan3A_24 to %scan3A_26 step %scan3A_27  : i32 {
        %broadcast_in_dim3A = vector.broadcast %scan3A_29 : i32 to vector<16xi32>
        %gather3A = tpu.vector_load_idx %arg10[%broadcast_in_dim3A] : memref<200xf32, #tpu.memory_space<vmem>>[vector<16xi32>], vector<16xf32>,
        %get3A = arith.index_cast %scan3A_29 : i32 to index
        %get3A_30 = arith.constant 0 : index
        %get3A_31 = tpu.vector_load %arg11[%get3A, %get3A_30] {strides = array<i32>} : memref<200x128xf32, #tpu.memory_space<vmem>>, vector<16xf32>,
        %mul3A_32 = arith.mulf %get3A_31, %gather3A : vector<16xf32>
        %swap3A = arith.index_cast %scan3A_29 : i32 to index
        %swap3A_33 = arith.constant 0 : index
        %swap3A_34 = tpu.vector_load %arg11[%swap3A, %swap3A_33] {strides = array<i32>} : memref<200x128xf32, #tpu.memory_space<vmem>>, vector<16xf32>,
        tpu.vector_store %arg11[%swap3A, %swap3A_33], %mul3A_32 {strides = array<i32>} : memref<200x128xf32, #tpu.memory_space<vmem>>, vector<16xf32>,
        %get3A_35 = arith.index_cast %scan3A_29 : i32 to index
        %get3A_36 = arith.constant 16 : index
        %get3A_37 = tpu.vector_load %arg11[%get3A_35, %get3A_36] {strides = array<i32>} : memref<200x128xf32, #tpu.memory_space<vmem>>, vector<16xf32>,
        %mul3A_38 = arith.mulf %get3A_37, %gather3A : vector<16xf32>
        %swap3A_39 = arith.index_cast %scan3A_29 : i32 to index
        %swap3A_40 = arith.constant 16 : index
        %swap3A_41 = tpu.vector_load %arg11[%swap3A_39, %swap3A_40] {strides = array<i32>} : memref<200x128xf32, #tpu.memory_space<vmem>>, vector<16xf32>,
        tpu.vector_store %arg11[%swap3A_39, %swap3A_40], %mul3A_38 {strides = array<i32>} : memref<200x128xf32, #tpu.memory_space<vmem>>, vector<16xf32>,
        %get3A_42 = arith.index_cast %scan3A_29 : i32 to index
        %get3A_43 = arith.constant 32 : index
        %get3A_44 = tpu.vector_load %arg11[%get3A_42, %get3A_43] {strides = array<i32>} : memref<200x128xf32, #tpu.memory_space<vmem>>, vector<16xf32>,
        %mul3A_45 = arith.mulf %get3A_44, %gather3A : vector<16xf32>
        %swap3A_46 = arith.index_cast %scan3A_29 : i32 to index
        %swap3A_47 = arith.constant 32 : index
        %swap3A_48 = tpu.vector_load %arg11[%swap3A_46, %swap3A_47] {strides = array<i32>} : memref<200x128xf32, #tpu.memory_space<vmem>>, vector<16xf32>,
        tpu.vector_store %arg11[%swap3A_46, %swap3A_47], %mul3A_45 {strides = array<i32>} : memref<200x128xf32, #tpu.memory_space<vmem>>, vector<16xf32>,
        %get3A_49 = arith.index_cast %scan3A_29 : i32 to index
        %get3A_50 = arith.constant 48 : index
        %get3A_51 = tpu.vector_load %arg11[%get3A_49, %get3A_50] {strides = array<i32>} : memref<200x128xf32, #tpu.memory_space<vmem>>, vector<16xf32>,
        %mul3A_52 = arith.mulf %get3A_51, %gather3A : vector<16xf32>
        %swap3A_53 = arith.index_cast %scan3A_29 : i32 to index
        %swap3A_54 = arith.constant 48 : index
        %swap3A_55 = tpu.vector_load %arg11[%swap3A_53, %swap3A_54] {strides = array<i32>} : memref<200x128xf32, #tpu.memory_space<vmem>>, vector<16xf32>,
        tpu.vector_store %arg11[%swap3A_53, %swap3A_54], %mul3A_52 {strides = array<i32>} : memref<200x128xf32, #tpu.memory_space<vmem>>, vector<16xf32>,
        %get3A_56 = arith.index_cast %scan3A_29 : i32 to index
        %get3A_57 = arith.constant 64 : index
        %get3A_58 = tpu.vector_load %arg11[%get3A_56, %get3A_57] {strides = array<i32>} : memref<200x128xf32, #tpu.memory_space<vmem>>, vector<16xf32>,
        %mul3A_59 = arith.mulf %get3A_58, %gather3A : vector<16xf32>
        %swap3A_60 = arith.index_cast %scan3A_29 : i32 to index
        %swap3A_61 = arith.constant 64 : index
        %swap3A_62 = tpu.vector_load %arg11[%swap3A_60, %swap3A_61] {strides = array<i32>} : memref<200x128xf32, #tpu.memory_space<vmem>>, vector<16xf32>,
        tpu.vector_store %arg11[%swap3A_60, %swap3A_61], %mul3A_59 {strides = array<i32>} : memref<200x128xf32, #tpu.memory_space<vmem>>, vector<16xf32>,
        %get3A_63 = arith.index_cast %scan3A_29 : i32 to index
        %get3A_64 = arith.constant 80 : index
        %get3A_65 = tpu.vector_load %arg11[%get3A_63, %get3A_64] {strides = array<i32>} : memref<200x128xf32, #tpu.memory_space<vmem>>, vector<16xf32>,
        %mul3A_66 = arith.mulf %get3A_65, %gather3A : vector<16xf32>
        %swap3A_67 = arith.index_cast %scan3A_29 : i32 to index
        %swap3A_68 = arith.constant 80 : index
        %swap3A_69 = tpu.vector_load %arg11[%swap3A_67, %swap3A_68] {strides = array<i32>} : memref<200x128xf32, #tpu.memory_space<vmem>>, vector<16xf32>,
        tpu.vector_store %arg11[%swap3A_67, %swap3A_68], %mul3A_66 {strides = array<i32>} : memref<200x128xf32, #tpu.memory_space<vmem>>, vector<16xf32>,
        %get3A_70 = arith.index_cast %scan3A_29 : i32 to index
        %get3A_71 = arith.constant 96 : index
        %get3A_72 = tpu.vector_load %arg11[%get3A_70, %get3A_71] {strides = array<i32>} : memref<200x128xf32, #tpu.memory_space<vmem>>, vector<16xf32>,
        %mul3A_73 = arith.mulf %get3A_72, %gather3A : vector<16xf32>
        %swap3A_74 = arith.index_cast %scan3A_29 : i32 to index
        %swap3A_75 = arith.constant 96 : index
        %swap3A_76 = tpu.vector_load %arg11[%swap3A_74, %swap3A_75] {strides = array<i32>} : memref<200x128xf32, #tpu.memory_space<vmem>>, vector<16xf32>,
        tpu.vector_store %arg11[%swap3A_74, %swap3A_75], %mul3A_73 {strides = array<i32>} : memref<200x128xf32, #tpu.memory_space<vmem>>, vector<16xf32>,
        %get3A_77 = arith.index_cast %scan3A_29 : i32 to index
        %get3A_78 = arith.constant 112 : index
        %get3A_79 = tpu.vector_load %arg11[%get3A_77, %get3A_78] {strides = array<i32>} : memref<200x128xf32, #tpu.memory_space<vmem>>, vector<16xf32>,
        %mul3A_80 = arith.mulf %get3A_79, %gather3A : vector<16xf32>
        %swap3A_81 = arith.index_cast %scan3A_29 : i32 to index
        %swap3A_82 = arith.constant 112 : index
        %swap3A_83 = tpu.vector_load %arg11[%swap3A_81, %swap3A_82] {strides = array<i32>} : memref<200x128xf32, #tpu.memory_space<vmem>>, vector<16xf32>,
        tpu.vector_store %arg11[%swap3A_81, %swap3A_82], %mul3A_80 {strides = array<i32>} : memref<200x128xf32, #tpu.memory_space<vmem>>, vector<16xf32>,
      }
      %scan3A_28 = arith.constant 200 : i32
      "tpu.region"() ({
        %run_scoped3A = tpu.sem_alloc : memref<!tpu.dma_semaphore, #tpu.memory_space<semaphore_mem>>
        %dma_start3A_29 = arith.constant 0 : i32
        %dma_start3A_30 = arith.constant 0 : i32
        %dma_start3A_31 = tpu.memref_slice %arg12[%dma_start3A_29, %dma_start3A_30] : memref<10240x128xf32, #tpu.memory_space<vmem_shared>> -> memref<10240x128xf32, #tpu.memory_space<vmem_shared>>
        tpu.enqueue_indirect_dma source(%arg11 : memref<200x128xf32, #tpu.memory_space<vmem>>) target(%dma_start3A_31 : memref<10240x128xf32, #tpu.memory_space<vmem_shared>>) offsets(%arg9 : memref<200xi32, #tpu.memory_space<vmem>>) semaphore(%run_scoped3A : memref<!tpu.dma_semaphore, #tpu.memory_space<semaphore_mem>>) {add = true}
        %dma_wait3A_32 = arith.constant 0 : i32
        %dma_wait3A_33 = arith.constant 0 : i32
        %dma_wait3A_34 = tpu.memref_slice %arg12[%dma_wait3A_32, %dma_wait3A_33] : memref<10240x128xf32, #tpu.memory_space<vmem_shared>> -> memref<10240x128xf32, #tpu.memory_space<vmem_shared>>
        tpu.wait_indirect_dma semaphore(%run_scoped3A : memref<!tpu.dma_semaphore, #tpu.memory_space<semaphore_mem>>) src(%arg11 : memref<200x128xf32, #tpu.memory_space<vmem>>) dst(%dma_wait3A_34 : memref<10240x128xf32, #tpu.memory_space<vmem_shared>>)
        tpu.yield
      }) : () -> ()
    }
    %scan3A_7 = arith.constant 25 : i32
    %barrier3A_8 = arith.constant 0 : index
    tpu.barrier barrier_id(%barrier3A_8)
    %mul3A_9 = arith.constant 640 : i32
    %mul3A_10 = arith.muli %arg1, %mul3A_9 : i32
    %mul3A_11 = arith.constant 640 : i32
    %mul3A_12 = arith.muli %arg1, %mul3A_11 : i32
    "tpu.region"() ({
      %run_scoped3A = tpu.sem_alloc : memref<!tpu.dma_semaphore, #tpu.memory_space<semaphore_mem>>
      %dma_start3A = arith.constant 0 : i32
      %dma_start3A_13 = tpu.memref_slice %arg7[%arg0, %mul3A_12, %dma_start3A] : memref<2x10240x128xf32, #tpu.memory_space<hbm>> -> memref<1x640x128xf32, #tpu.memory_space<hbm>>
      %dma_start3A_14 = tpu.memref_squeeze %dma_start3A_13 : memref<1x640x128xf32, #tpu.memory_space<hbm>> -> memref<640x128xf32, #tpu.memory_space<hbm>>
      %dma_start3A_15 = arith.constant 0 : i32
      %dma_start3A_16 = tpu.memref_slice %arg12[%mul3A_10, %dma_start3A_15] : memref<10240x128xf32, #tpu.memory_space<vmem_shared>> -> memref<640x128xf32, #tpu.memory_space<vmem_shared>>
      tpu.enqueue_dma source(%dma_start3A_16 : memref<640x128xf32, #tpu.memory_space<vmem_shared>>) target(%dma_start3A_14 : memref<640x128xf32, #tpu.memory_space<hbm>>) target_semaphore(%run_scoped3A : memref<!tpu.dma_semaphore, #tpu.memory_space<semaphore_mem>>)
      %dma_wait3A = arith.constant 0 : i32
      %dma_wait3A_17 = tpu.memref_slice %arg7[%arg0, %mul3A_12, %dma_wait3A] : memref<2x10240x128xf32, #tpu.memory_space<hbm>> -> memref<1x640x128xf32, #tpu.memory_space<hbm>>
      %dma_wait3A_18 = tpu.memref_squeeze %dma_wait3A_17 : memref<1x640x128xf32, #tpu.memory_space<hbm>> -> memref<640x128xf32, #tpu.memory_space<hbm>>
      %dma_wait3A_19 = arith.constant 0 : i32
      %dma_wait3A_20 = tpu.memref_slice %arg12[%mul3A_10, %dma_wait3A_19] : memref<10240x128xf32, #tpu.memory_space<vmem_shared>> -> memref<640x128xf32, #tpu.memory_space<vmem_shared>>
      tpu.wait_dma2 semaphore(%run_scoped3A : memref<!tpu.dma_semaphore, #tpu.memory_space<semaphore_mem>>) src(%dma_wait3A_20 : memref<640x128xf32, #tpu.memory_space<vmem_shared>>) dst(%dma_wait3A_18 : memref<640x128xf32, #tpu.memory_space<hbm>>)
      tpu.yield
    }) : () -> ()
    return
  }
}

#map = affine_map<(d0, d1) -> (0)>
#map1 = affine_map<(d0, d1) -> (0, 0)>
#map2 = affine_map<(d0, d1) -> (0, 0, 0, 0, 0)>
#map3 = affine_map<(d0, d1) -> (0, 0, 0)>
module attributes {stable_mosaic.version = 14 : i64} {
  func.func @new_body(%arg0: i32, %arg1: i32, %arg2: memref<160000xi32, #tpu.memory_space<hbm>>, %arg3: memref<160000xi32, #tpu.memory_space<hbm>>, %arg4: memref<10000x128xf32, #tpu.memory_space<hbm>>, %arg5: memref<100000128xf32, #tpu.memory_space<hbm>>, %arg6: memref<2x16x5x1x2000xf32, #tpu.memory_space<hbm>>, %arg7: memref<32x1x32xf32, #tpu.memory_space<hbm>>, %arg8: memref<100000128xf32, #tpu.memory_space<hbm>>, %arg9: memref<200xi32, #tpu.memory_space<vmem>>, %arg10: memref<200xi32, #tpu.memory_space<vmem>>, %arg11: memref<200xi32, #tpu.memory_space<vmem>>, %arg12: memref<200xf32, #tpu.memory_space<vmem>>, %arg13: memref<200xi32, #tpu.memory_space<vmem>>, %arg14: memref<200xf32, #tpu.memory_space<vmem>>, %arg15: memref<2000xf32, #tpu.memory_space<vmem>>, %arg16: memref<200x128xf32, #tpu.memory_space<vmem>>, %arg17: memref<200x128xf32, #tpu.memory_space<vmem>>, %arg18: memref<32xf32, #tpu.memory_space<vmem>>, %arg19: memref<160000xf32, #tpu.memory_space<vmem_shared>>, %arg20: memref<!tpu.dma_semaphore, #tpu.memory_space<semaphore_mem>>) attributes {dimension_semantics = [#tpu.dimension_semantics<core_parallel>, #tpu.dimension_semantics<subcore_parallel>], iteration_bounds = array<i64: 2, 16>, scalar_prefetch = 0 : i64, scratch_operands = 12 : i64, tpu.core_type = #tpu.core_type<sc_vector_subcore>, window_params = [{transform_indices = #map}, {transform_indices = #map}, {transform_indices = #map1}, {transform_indices = #map}, {transform_indices = #map2}, {transform_indices = #map3}, {transform_indices = #map}]} {
    %mul3A = arith.constant 2 : i32
    %mul3A_0 = arith.muli %arg1, %mul3A : i32
    %add3A = arith.addi %mul3A_0, %arg0 : i32
    %scan3A = arith.constant 0 : i32
    %scan3A_1 = arith.constant 0 : i32
    %scan3A_2 = arith.constant 125 : i32
    %scan3A_3 = arith.addi %scan3A_1, %scan3A_2 : i32
    %scan3A_4 = arith.constant 1 : i32
    scf.for %scan3A_35 = %scan3A_1 to %scan3A_3 step %scan3A_4  : i32 {
      %broadcast_in_dim3A_36 = arith.constant 0.000000e+00 : f32
      %broadcast_in_dim3A_37 = vector.broadcast %broadcast_in_dim3A_36 : f32 to vector<16xf32>
      %mul3A_38 = arith.constant 16 : i32
      %mul3A_39 = arith.muli %mul3A_38, %scan3A_35 : i32
      %swap3A_40 = arith.index_cast %mul3A_39 : i32 to index
      %swap3A_41 = tpu.vector_load %arg15[%swap3A_40] {strides = array<i32>} : memref<2000xf32, #tpu.memory_space<vmem>>, vector<16xf32>,
      tpu.vector_store %arg15[%swap3A_40], %broadcast_in_dim3A_37 {strides = array<i32>} : memref<2000xf32, #tpu.memory_space<vmem>>, vector<16xf32>,
    }
    %scan3A_5 = arith.constant 125 : i32
    %scan3A_6 = arith.constant 0 : i32
    %scan3A_7 = arith.constant 0 : i32
    %scan3A_8 = arith.constant 5 : i32
    %scan3A_9 = arith.addi %scan3A_7, %scan3A_8 : i32
    %scan3A_10 = arith.constant 1 : i32
    scf.for %scan3A_35 = %scan3A_7 to %scan3A_9 step %scan3A_10  : i32 {
      %mul3A_36 = arith.constant 10000 : i32
      %mul3A_37 = arith.muli %arg1, %mul3A_36 : i32
      %mul3A_38 = arith.constant 2000 : i32
      %mul3A_39 = arith.muli %scan3A_35, %mul3A_38 : i32
      %add3A_40 = arith.addi %mul3A_37, %mul3A_39 : i32
      "tpu.region"() ({
        %run_scoped3A_41 = tpu.sem_alloc : memref<!tpu.dma_semaphore, #tpu.memory_space<semaphore_mem>>
        %dma_start3A = tpu.memref_slice %arg19[%add3A_40] : memref<160000xf32, #tpu.memory_space<vmem_shared>> -> memref<2000xf32, #tpu.memory_space<vmem_shared>>
        %dma_start3A_42 = tpu.memref_slice %arg19[%add3A_40] : memref<160000xf32, #tpu.memory_space<vmem_shared>> -> memref<2000xf32, #tpu.memory_space<vmem_shared>>
        tpu.enqueue_dma source(%arg15 : memref<2000xf32, #tpu.memory_space<vmem>>) target(%dma_start3A_42 : memref<2000xf32, #tpu.memory_space<vmem_shared>>) target_semaphore(%run_scoped3A_41 : memref<!tpu.dma_semaphore, #tpu.memory_space<semaphore_mem>>)
        %dma_wait3A = tpu.memref_slice %arg19[%add3A_40] : memref<160000xf32, #tpu.memory_space<vmem_shared>> -> memref<2000xf32, #tpu.memory_space<vmem_shared>>
        %dma_wait3A_43 = tpu.memref_slice %arg19[%add3A_40] : memref<160000xf32, #tpu.memory_space<vmem_shared>> -> memref<2000xf32, #tpu.memory_space<vmem_shared>>
        tpu.wait_dma2 semaphore(%run_scoped3A_41 : memref<!tpu.dma_semaphore, #tpu.memory_space<semaphore_mem>>) src(%arg15 : memref<2000xf32, #tpu.memory_space<vmem>>) dst(%dma_wait3A_43 : memref<2000xf32, #tpu.memory_space<vmem_shared>>)
        tpu.yield
      }) : () -> ()
    }
    %scan3A_11 = arith.constant 5 : i32
    %scan3A_12 = arith.constant 0 : i32
    %scan3A_13 = arith.constant 0 : i32
    %scan3A_14 = arith.constant 13 : i32
    %scan3A_15 = arith.addi %scan3A_13, %scan3A_14 : i32
    %scan3A_16 = arith.constant 1 : i32
    scf.for %scan3A_35 = %scan3A_13 to %scan3A_15 step %scan3A_16  : i32 {
      %broadcast_in_dim3A_36 = arith.constant 1.000000e+00 : f32
      %broadcast_in_dim3A_37 = vector.broadcast %broadcast_in_dim3A_36 : f32 to vector<16xf32>
      %mul3A_38 = arith.constant 16 : i32
      %mul3A_39 = arith.muli %mul3A_38, %scan3A_35 : i32
      %min3A = arith.constant 184 : i32
      %min3A_40 = arith.minsi %mul3A_39, %min3A : i32
      %swap3A_41 = arith.index_cast %min3A_40 : i32 to index
      %swap3A_42 = tpu.vector_load %arg14[%swap3A_41] {strides = array<i32>} : memref<200xf32, #tpu.memory_space<vmem>>, vector<16xf32>,
      tpu.vector_store %arg14[%swap3A_41], %broadcast_in_dim3A_37 {strides = array<i32>} : memref<200xf32, #tpu.memory_space<vmem>>, vector<16xf32>,
    }
    %scan3A_17 = arith.constant 13 : i32
    %barrier3A = arith.constant 0 : index
    tpu.barrier barrier_id(%barrier3A)
    %broadcast_in_dim3A = arith.constant 0.000000e+00 : f32
    %broadcast_in_dim3A_18 = vector.broadcast %broadcast_in_dim3A : f32 to vector<16xf32>
    %scan3A_19 = arith.constant 0 : i32
    %scan3A_20 = arith.constant 25 : i32
    %scan3A_21 = arith.addi %scan3A_19, %scan3A_20 : i32
    %scan3A_22 = arith.constant 1 : i32
    %scan3A_23:2 = scf.for %scan3A_35 = %scan3A_19 to %scan3A_21 step %scan3A_22 iter_args(%scan3A_36 = %broadcast_in_dim3A_18, %scan3A_37 = %broadcast_in_dim3A_18) -> (vector<16xf32>, vector<16xf32>)  : i32 {
      %mul3A_38 = arith.constant 5000 : i32
      %mul3A_39 = arith.muli %add3A, %mul3A_38 : i32
      %mul3A_40 = arith.constant 200 : i32
      %mul3A_41 = arith.muli %scan3A_35, %mul3A_40 : i32
      %add3A_42 = arith.addi %mul3A_39, %mul3A_41 : i32
      %multiple_of3A = tpu.assume_multiple %add3A_42, 8 : i32
      "tpu.region"() ({
        %run_scoped3A_75 = tpu.sem_alloc : memref<!tpu.dma_semaphore, #tpu.memory_space<semaphore_mem>>
        %dma_start3A_76 = tpu.memref_slice %arg2[%multiple_of3A] : memref<160000xi32, #tpu.memory_space<hbm>> -> memref<200xi32, #tpu.memory_space<hbm>>
        %dma_start3A_77 = tpu.memref_slice %arg2[%multiple_of3A] : memref<160000xi32, #tpu.memory_space<hbm>> -> memref<200xi32, #tpu.memory_space<hbm>>
        tpu.enqueue_dma source(%dma_start3A_77 : memref<200xi32, #tpu.memory_space<hbm>>) target(%arg9 : memref<200xi32, #tpu.memory_space<vmem>>) target_semaphore(%run_scoped3A_75 : memref<!tpu.dma_semaphore, #tpu.memory_space<semaphore_mem>>)
        %dma_wait3A_78 = tpu.memref_slice %arg2[%multiple_of3A] : memref<160000xi32, #tpu.memory_space<hbm>> -> memref<200xi32, #tpu.memory_space<hbm>>
        %dma_wait3A_79 = tpu.memref_slice %arg2[%multiple_of3A] : memref<160000xi32, #tpu.memory_space<hbm>> -> memref<200xi32, #tpu.memory_space<hbm>>
        tpu.wait_dma2 semaphore(%run_scoped3A_75 : memref<!tpu.dma_semaphore, #tpu.memory_space<semaphore_mem>>) src(%dma_wait3A_79 : memref<200xi32, #tpu.memory_space<hbm>>) dst(%arg9 : memref<200xi32, #tpu.memory_space<vmem>>)
        tpu.yield
      }) : () -> ()
      "tpu.region"() ({
        %run_scoped3A_75 = tpu.sem_alloc : memref<!tpu.dma_semaphore, #tpu.memory_space<semaphore_mem>>
        %dma_start3A_76 = tpu.memref_slice %arg3[%multiple_of3A] : memref<160000xi32, #tpu.memory_space<hbm>> -> memref<200xi32, #tpu.memory_space<hbm>>
        %dma_start3A_77 = tpu.memref_slice %arg3[%multiple_of3A] : memref<160000xi32, #tpu.memory_space<hbm>> -> memref<200xi32, #tpu.memory_space<hbm>>
        tpu.enqueue_dma source(%dma_start3A_77 : memref<200xi32, #tpu.memory_space<hbm>>) target(%arg10 : memref<200xi32, #tpu.memory_space<vmem>>) target_semaphore(%run_scoped3A_75 : memref<!tpu.dma_semaphore, #tpu.memory_space<semaphore_mem>>)
        %dma_wait3A_78 = tpu.memref_slice %arg3[%multiple_of3A] : memref<160000xi32, #tpu.memory_space<hbm>> -> memref<200xi32, #tpu.memory_space<hbm>>
        %dma_wait3A_79 = tpu.memref_slice %arg3[%multiple_of3A] : memref<160000xi32, #tpu.memory_space<hbm>> -> memref<200xi32, #tpu.memory_space<hbm>>
        tpu.wait_dma2 semaphore(%run_scoped3A_75 : memref<!tpu.dma_semaphore, #tpu.memory_space<semaphore_mem>>) src(%dma_wait3A_79 : memref<200xi32, #tpu.memory_space<hbm>>) dst(%arg10 : memref<200xi32, #tpu.memory_space<vmem>>)
        tpu.yield
      }) : () -> ()
      %scan3A_43 = arith.constant 0 : i32
      %scan3A_44 = arith.constant 0 : i32
      %scan3A_45 = arith.constant 13 : i32
      %scan3A_46 = arith.addi %scan3A_44, %scan3A_45 : i32
      %scan3A_47 = arith.constant 1 : i32
      scf.for %scan3A_75 = %scan3A_44 to %scan3A_46 step %scan3A_47  : i32 {
        %mul3A_76 = arith.constant 16 : i32
        %mul3A_77 = arith.muli %mul3A_76, %scan3A_75 : i32
        %min3A = arith.constant 184 : i32
        %min3A_78 = arith.minsi %mul3A_77, %min3A : i32
        %get3A = arith.index_cast %min3A_78 : i32 to index
        %get3A_79 = tpu.vector_load %arg9[%get3A] {strides = array<i32>} : memref<200xi32, #tpu.memory_space<vmem>>, vector<16xi32>,
        %mul3A_80 = arith.constant 10000 : i32
        %mul3A_81 = vector.broadcast %mul3A_80 : i32 to vector<16xi32>
        %mul3A_82 = arith.muli %get3A_79, %mul3A_81 : vector<16xi32>
        %get3A_83 = arith.index_cast %min3A_78 : i32 to index
        %get3A_84 = tpu.vector_load %arg10[%get3A_83] {strides = array<i32>} : memref<200xi32, #tpu.memory_space<vmem>>, vector<16xi32>,
        %add3A_85 = arith.addi %mul3A_82, %get3A_84 : vector<16xi32>
        %swap3A_86 = arith.index_cast %min3A_78 : i32 to index
        %swap3A_87 = tpu.vector_load %arg11[%swap3A_86] {strides = array<i32>} : memref<200xi32, #tpu.memory_space<vmem>>, vector<16xi32>,
        tpu.vector_store %arg11[%swap3A_86], %add3A_85 {strides = array<i32>} : memref<200xi32, #tpu.memory_space<vmem>>, vector<16xi32>,
      }
      %scan3A_48 = arith.constant 13 : i32
      %dma_start3A = arith.constant 0 : i32
      %dma_start3A_49 = tpu.memref_slice %arg5[%dma_start3A] : memref<100000128xf32, #tpu.memory_space<hbm>> -> memref<100000128xf32, #tpu.memory_space<hbm>>
      tpu.enqueue_indirect_dma source(%dma_start3A_49 : memref<100000128xf32, #tpu.memory_space<hbm>>) target(%arg12 : memref<200xf32, #tpu.memory_space<vmem>>) offsets(%arg11 : memref<200xi32, #tpu.memory_space<vmem>>) semaphore(%arg20 : memref<!tpu.dma_semaphore, #tpu.memory_space<semaphore_mem>>)
      %dma_start3A_50 = arith.constant 0 : i32
      %dma_start3A_51 = arith.constant 0 : i32
      %dma_start3A_52 = tpu.memref_slice %arg4[%dma_start3A_50, %dma_start3A_51] : memref<10000x128xf32, #tpu.memory_space<hbm>> -> memref<10000x128xf32, #tpu.memory_space<hbm>>
      tpu.enqueue_indirect_dma source(%dma_start3A_52 : memref<10000x128xf32, #tpu.memory_space<hbm>>) target(%arg16 : memref<200x128xf32, #tpu.memory_space<vmem>>) offsets(%arg9 : memref<200xi32, #tpu.memory_space<vmem>>) semaphore(%arg20 : memref<!tpu.dma_semaphore, #tpu.memory_space<semaphore_mem>>)
      %dma_start3A_53 = arith.constant 0 : i32
      %dma_start3A_54 = arith.constant 0 : i32
      %dma_start3A_55 = tpu.memref_slice %arg4[%dma_start3A_53, %dma_start3A_54] : memref<10000x128xf32, #tpu.memory_space<hbm>> -> memref<10000x128xf32, #tpu.memory_space<hbm>>
      tpu.enqueue_indirect_dma source(%dma_start3A_55 : memref<10000x128xf32, #tpu.memory_space<hbm>>) target(%arg17 : memref<200x128xf32, #tpu.memory_space<vmem>>) offsets(%arg10 : memref<200xi32, #tpu.memory_space<vmem>>) semaphore(%arg20 : memref<!tpu.dma_semaphore, #tpu.memory_space<semaphore_mem>>)
      %dma_wait3A = arith.constant 0 : i32
      %dma_wait3A_56 = tpu.memref_slice %arg5[%dma_wait3A] : memref<100000128xf32, #tpu.memory_space<hbm>> -> memref<100000128xf32, #tpu.memory_space<hbm>>
      tpu.wait_indirect_dma semaphore(%arg20 : memref<!tpu.dma_semaphore, #tpu.memory_space<semaphore_mem>>) src(%dma_wait3A_56 : memref<100000128xf32, #tpu.memory_space<hbm>>) dst(%arg12 : memref<200xf32, #tpu.memory_space<vmem>>)
      %scan3A_57 = arith.constant 0 : i32
      %scan3A_58 = arith.constant 0 : i32
      %scan3A_59 = arith.constant 13 : i32
      %scan3A_60 = arith.addi %scan3A_58, %scan3A_59 : i32
      %scan3A_61 = arith.constant 1 : i32
      scf.for %scan3A_75 = %scan3A_58 to %scan3A_60 step %scan3A_61  : i32 {
        %mul3A_76 = arith.constant 16 : i32
        %mul3A_77 = arith.muli %mul3A_76, %scan3A_75 : i32
        %min3A = arith.constant 184 : i32
        %min3A_78 = arith.minsi %mul3A_77, %min3A : i32
        %get3A = arith.index_cast %min3A_78 : i32 to index
        %get3A_79 = tpu.vector_load %arg12[%get3A] {strides = array<i32>} : memref<200xf32, #tpu.memory_space<vmem>>, vector<16xf32>,
        %convert_element_type3A = arith.fptosi %get3A_79 : vector<16xf32> to vector<16xi32>
        %swap3A_80 = arith.index_cast %min3A_78 : i32 to index
        %swap3A_81 = tpu.vector_load %arg13[%swap3A_80] {strides = array<i32>} : memref<200xi32, #tpu.memory_space<vmem>>, vector<16xi32>,
        tpu.vector_store %arg13[%swap3A_80], %convert_element_type3A {strides = array<i32>} : memref<200xi32, #tpu.memory_space<vmem>>, vector<16xi32>,
      }
      %scan3A_62 = arith.constant 13 : i32
      "tpu.region"() ({
        %run_scoped3A_75 = tpu.sem_alloc : memref<!tpu.dma_semaphore, #tpu.memory_space<semaphore_mem>>
        %dma_start3A_76 = arith.constant 0 : i32
        %dma_start3A_77 = tpu.memref_slice %arg19[%dma_start3A_76] : memref<160000xf32, #tpu.memory_space<vmem_shared>> -> memref<160000xf32, #tpu.memory_space<vmem_shared>>
        tpu.enqueue_indirect_dma source(%arg14 : memref<200xf32, #tpu.memory_space<vmem>>) target(%dma_start3A_77 : memref<160000xf32, #tpu.memory_space<vmem_shared>>) offsets(%arg13 : memref<200xi32, #tpu.memory_space<vmem>>) semaphore(%run_scoped3A_75 : memref<!tpu.dma_semaphore, #tpu.memory_space<semaphore_mem>>) {add = true}
        %dma_wait3A_78 = arith.constant 0 : i32
        %dma_wait3A_79 = tpu.memref_slice %arg19[%dma_wait3A_78] : memref<160000xf32, #tpu.memory_space<vmem_shared>> -> memref<160000xf32, #tpu.memory_space<vmem_shared>>
        tpu.wait_indirect_dma semaphore(%run_scoped3A_75 : memref<!tpu.dma_semaphore, #tpu.memory_space<semaphore_mem>>) src(%arg14 : memref<200xf32, #tpu.memory_space<vmem>>) dst(%dma_wait3A_79 : memref<160000xf32, #tpu.memory_space<vmem_shared>>)
        tpu.yield
      }) : () -> ()
      %dma_wait3A_63 = arith.constant 0 : i32
      %dma_wait3A_64 = arith.constant 0 : i32
      %dma_wait3A_65 = tpu.memref_slice %arg4[%dma_wait3A_63, %dma_wait3A_64] : memref<10000x128xf32, #tpu.memory_space<hbm>> -> memref<10000x128xf32, #tpu.memory_space<hbm>>
      tpu.wait_indirect_dma semaphore(%arg20 : memref<!tpu.dma_semaphore, #tpu.memory_space<semaphore_mem>>) src(%dma_wait3A_65 : memref<10000x128xf32, #tpu.memory_space<hbm>>) dst(%arg16 : memref<200x128xf32, #tpu.memory_space<vmem>>)
      %dma_wait3A_66 = arith.constant 0 : i32
      %dma_wait3A_67 = arith.constant 0 : i32
      %dma_wait3A_68 = tpu.memref_slice %arg4[%dma_wait3A_66, %dma_wait3A_67] : memref<10000x128xf32, #tpu.memory_space<hbm>> -> memref<10000x128xf32, #tpu.memory_space<hbm>>
      tpu.wait_indirect_dma semaphore(%arg20 : memref<!tpu.dma_semaphore, #tpu.memory_space<semaphore_mem>>) src(%dma_wait3A_68 : memref<10000x128xf32, #tpu.memory_space<hbm>>) dst(%arg17 : memref<200x128xf32, #tpu.memory_space<vmem>>)
      %scan3A_69 = arith.constant 0 : i32
      %scan3A_70 = arith.constant 200 : i32
      %scan3A_71 = arith.addi %scan3A_69, %scan3A_70 : i32
      %scan3A_72 = arith.constant 1 : i32
      %scan3A_73:2 = scf.for %scan3A_75 = %scan3A_69 to %scan3A_71 step %scan3A_72 iter_args(%scan3A_76 = %scan3A_36, %scan3A_77 = %scan3A_37) -> (vector<16xf32>, vector<16xf32>)  : i32 {
        %get3A = arith.index_cast %scan3A_75 : i32 to index
        %get3A_78 = arith.constant 0 : index
        %get3A_79 = tpu.vector_load %arg16[%get3A, %get3A_78] {strides = array<i32>} : memref<200x128xf32, #tpu.memory_space<vmem>>, vector<16xf32>,
        %get3A_80 = arith.index_cast %scan3A_75 : i32 to index
        %get3A_81 = arith.constant 0 : index
        %get3A_82 = tpu.vector_load %arg17[%get3A_80, %get3A_81] {strides = array<i32>} : memref<200x128xf32, #tpu.memory_space<vmem>>, vector<16xf32>,
        %mul3A_83 = arith.mulf %get3A_79, %get3A_82 : vector<16xf32>
        %add3A_84 = arith.addf %scan3A_76, %mul3A_83 : vector<16xf32>
        %mul3A_85 = arith.mulf %get3A_79, %get3A_79 : vector<16xf32>
        %add3A_86 = arith.addf %scan3A_77, %mul3A_85 : vector<16xf32>
        scf.yield %add3A_84, %add3A_86 : vector<16xf32>, vector<16xf32>
      }
      %scan3A_74 = arith.constant 200 : i32
      scf.yield %scan3A_73#0, %scan3A_73#1 : vector<16xf32>, vector<16xf32>
    }
    %scan3A_24 = arith.constant 25 : i32
    %swap3A = arith.constant 0 : index
    %swap3A_25 = tpu.vector_load %arg18[%swap3A] {strides = array<i32>} : memref<32xf32, #tpu.memory_space<vmem>>, vector<16xf32>,
    tpu.vector_store %arg18[%swap3A], %scan3A_23#0 {strides = array<i32>} : memref<32xf32, #tpu.memory_space<vmem>>, vector<16xf32>,
    %swap3A_26 = arith.constant 16 : index
    %swap3A_27 = tpu.vector_load %arg18[%swap3A_26] {strides = array<i32>} : memref<32xf32, #tpu.memory_space<vmem>>, vector<16xf32>,
    tpu.vector_store %arg18[%swap3A_26], %scan3A_23#1 {strides = array<i32>} : memref<32xf32, #tpu.memory_space<vmem>>, vector<16xf32>,
    %run_scoped3A = arith.constant 0 : i32
    "tpu.region"() ({
      %run_scoped3A_35 = tpu.sem_alloc : memref<!tpu.dma_semaphore, #tpu.memory_space<semaphore_mem>>
      %dma_start3A = arith.constant 0 : i32
      %dma_start3A_36 = tpu.memref_slice %arg7[%add3A, %run_scoped3A, %dma_start3A] : memref<32x1x32xf32, #tpu.memory_space<hbm>> -> memref<1x1x32xf32, #tpu.memory_space<hbm>>
      %dma_start3A_37 = tpu.memref_squeeze %dma_start3A_36 : memref<1x1x32xf32, #tpu.memory_space<hbm>> -> memref<32xf32, #tpu.memory_space<hbm>>
      %dma_start3A_38 = arith.constant 0 : i32
      %dma_start3A_39 = tpu.memref_slice %arg7[%add3A, %run_scoped3A, %dma_start3A_38] : memref<32x1x32xf32, #tpu.memory_space<hbm>> -> memref<1x1x32xf32, #tpu.memory_space<hbm>>
      %dma_start3A_40 = tpu.memref_squeeze %dma_start3A_39 : memref<1x1x32xf32, #tpu.memory_space<hbm>> -> memref<32xf32, #tpu.memory_space<hbm>>
      tpu.enqueue_dma source(%arg18 : memref<32xf32, #tpu.memory_space<vmem>>) target(%dma_start3A_40 : memref<32xf32, #tpu.memory_space<hbm>>) target_semaphore(%run_scoped3A_35 : memref<!tpu.dma_semaphore, #tpu.memory_space<semaphore_mem>>)
      %dma_wait3A = arith.constant 0 : i32
      %dma_wait3A_41 = tpu.memref_slice %arg7[%add3A, %run_scoped3A, %dma_wait3A] : memref<32x1x32xf32, #tpu.memory_space<hbm>> -> memref<1x1x32xf32, #tpu.memory_space<hbm>>
      %dma_wait3A_42 = tpu.memref_squeeze %dma_wait3A_41 : memref<1x1x32xf32, #tpu.memory_space<hbm>> -> memref<32xf32, #tpu.memory_space<hbm>>
      %dma_wait3A_43 = arith.constant 0 : i32
      %dma_wait3A_44 = tpu.memref_slice %arg7[%add3A, %run_scoped3A, %dma_wait3A_43] : memref<32x1x32xf32, #tpu.memory_space<hbm>> -> memref<1x1x32xf32, #tpu.memory_space<hbm>>
      %dma_wait3A_45 = tpu.memref_squeeze %dma_wait3A_44 : memref<1x1x32xf32, #tpu.memory_space<hbm>> -> memref<32xf32, #tpu.memory_space<hbm>>
      tpu.wait_dma2 semaphore(%run_scoped3A_35 : memref<!tpu.dma_semaphore, #tpu.memory_space<semaphore_mem>>) src(%arg18 : memref<32xf32, #tpu.memory_space<vmem>>) dst(%dma_wait3A_45 : memref<32xf32, #tpu.memory_space<hbm>>)
      tpu.yield
    }) : () -> ()
    %barrier3A_28 = arith.constant 0 : index
    tpu.barrier barrier_id(%barrier3A_28)
    %scan3A_29 = arith.constant 0 : i32
    %scan3A_30 = arith.constant 0 : i32
    %scan3A_31 = arith.constant 5 : i32
    %scan3A_32 = arith.addi %scan3A_30, %scan3A_31 : i32
    %scan3A_33 = arith.constant 1 : i32
    scf.for %scan3A_35 = %scan3A_30 to %scan3A_32 step %scan3A_33  : i32 {
      %mul3A_36 = arith.constant 10000 : i32
      %mul3A_37 = arith.muli %arg1, %mul3A_36 : i32
      %mul3A_38 = arith.constant 2000 : i32
      %mul3A_39 = arith.muli %scan3A_35, %mul3A_38 : i32
      %add3A_40 = arith.addi %mul3A_37, %mul3A_39 : i32
      "tpu.region"() ({
        %run_scoped3A_42 = tpu.sem_alloc : memref<!tpu.dma_semaphore, #tpu.memory_space<semaphore_mem>>
        %dma_start3A = tpu.memref_slice %arg19[%add3A_40] : memref<160000xf32, #tpu.memory_space<vmem_shared>> -> memref<2000xf32, #tpu.memory_space<vmem_shared>>
        %dma_start3A_43 = tpu.memref_slice %arg19[%add3A_40] : memref<160000xf32, #tpu.memory_space<vmem_shared>> -> memref<2000xf32, #tpu.memory_space<vmem_shared>>
        tpu.enqueue_dma source(%dma_start3A_43 : memref<2000xf32, #tpu.memory_space<vmem_shared>>) target(%arg15 : memref<2000xf32, #tpu.memory_space<vmem>>) target_semaphore(%run_scoped3A_42 : memref<!tpu.dma_semaphore, #tpu.memory_space<semaphore_mem>>)
        %dma_wait3A = tpu.memref_slice %arg19[%add3A_40] : memref<160000xf32, #tpu.memory_space<vmem_shared>> -> memref<2000xf32, #tpu.memory_space<vmem_shared>>
        %dma_wait3A_44 = tpu.memref_slice %arg19[%add3A_40] : memref<160000xf32, #tpu.memory_space<vmem_shared>> -> memref<2000xf32, #tpu.memory_space<vmem_shared>>
        tpu.wait_dma2 semaphore(%run_scoped3A_42 : memref<!tpu.dma_semaphore, #tpu.memory_space<semaphore_mem>>) src(%dma_wait3A_44 : memref<2000xf32, #tpu.memory_space<vmem_shared>>) dst(%arg15 : memref<2000xf32, #tpu.memory_space<vmem>>)
        tpu.yield
      }) : () -> ()
      %run_scoped3A_41 = arith.constant 0 : i32
      "tpu.region"() ({
        %run_scoped3A_42 = tpu.sem_alloc : memref<!tpu.dma_semaphore, #tpu.memory_space<semaphore_mem>>
        %dma_start3A = arith.constant 0 : i32
        %dma_start3A_43 = tpu.memref_slice %arg6[%arg0, %arg1, %scan3A_35, %run_scoped3A_41, %dma_start3A] : memref<2x16x5x1x2000xf32, #tpu.memory_space<hbm>> -> memref<1x1x1x1x2000xf32, #tpu.memory_space<hbm>>
        %dma_start3A_44 = tpu.memref_squeeze %dma_start3A_43 : memref<1x1x1x1x2000xf32, #tpu.memory_space<hbm>> -> memref<2000xf32, #tpu.memory_space<hbm>>
        %dma_start3A_45 = arith.constant 0 : i32
        %dma_start3A_46 = tpu.memref_slice %arg6[%arg0, %arg1, %scan3A_35, %run_scoped3A_41, %dma_start3A_45] : memref<2x16x5x1x2000xf32, #tpu.memory_space<hbm>> -> memref<1x1x1x1x2000xf32, #tpu.memory_space<hbm>>
        %dma_start3A_47 = tpu.memref_squeeze %dma_start3A_46 : memref<1x1x1x1x2000xf32, #tpu.memory_space<hbm>> -> memref<2000xf32, #tpu.memory_space<hbm>>
        tpu.enqueue_dma source(%arg15 : memref<2000xf32, #tpu.memory_space<vmem>>) target(%dma_start3A_47 : memref<2000xf32, #tpu.memory_space<hbm>>) target_semaphore(%run_scoped3A_42 : memref<!tpu.dma_semaphore, #tpu.memory_space<semaphore_mem>>)
        %dma_wait3A = arith.constant 0 : i32
        %dma_wait3A_48 = tpu.memref_slice %arg6[%arg0, %arg1, %scan3A_35, %run_scoped3A_41, %dma_wait3A] : memref<2x16x5x1x2000xf32, #tpu.memory_space<hbm>> -> memref<1x1x1x1x2000xf32, #tpu.memory_space<hbm>>
        %dma_wait3A_49 = tpu.memref_squeeze %dma_wait3A_48 : memref<1x1x1x1x2000xf32, #tpu.memory_space<hbm>> -> memref<2000xf32, #tpu.memory_space<hbm>>
        %dma_wait3A_50 = arith.constant 0 : i32
        %dma_wait3A_51 = tpu.memref_slice %arg6[%arg0, %arg1, %scan3A_35, %run_scoped3A_41, %dma_wait3A_50] : memref<2x16x5x1x2000xf32, #tpu.memory_space<hbm>> -> memref<1x1x1x1x2000xf32, #tpu.memory_space<hbm>>
        %dma_wait3A_52 = tpu.memref_squeeze %dma_wait3A_51 : memref<1x1x1x1x2000xf32, #tpu.memory_space<hbm>> -> memref<2000xf32, #tpu.memory_space<hbm>>
        tpu.wait_dma2 semaphore(%run_scoped3A_42 : memref<!tpu.dma_semaphore, #tpu.memory_space<semaphore_mem>>) src(%arg15 : memref<2000xf32, #tpu.memory_space<vmem>>) dst(%dma_wait3A_52 : memref<2000xf32, #tpu.memory_space<hbm>>)
        tpu.yield
      }) : () -> ()
    }
    %scan3A_34 = arith.constant 5 : i32
    return
  }
}

module attributes {stable_mosaic.version = 14 : i64} {
  func.func @_dense_body(%arg0: i32, %arg1: memref<1000x128xf32, #tpu.memory_space<vmem>>, %arg2: memref<1000x128xf32, #tpu.memory_space<vmem>>, %arg3: memref<1000x128xf32, #tpu.memory_space<vmem>>, %arg4: memref<128x128xf32, #tpu.memory_space<vmem>>, %arg5: memref<128x128xf32, #tpu.memory_space<vmem>>, %arg6: memref<128x16xf32, #tpu.memory_space<vmem>>, %arg7: memref<1x128xf32, #tpu.memory_space<vmem>>, %arg8: memref<1x16xf32, #tpu.memory_space<vmem>>, %arg9: memref<1000x16xf32, #tpu.memory_space<vmem>>, %arg10: memref<1000x128xf32, #tpu.memory_space<vmem>>, %arg11: memref<16x16xf32, #tpu.memory_space<vmem>>) attributes {dimension_semantics = [#tpu.dimension_semantics<arbitrary>], iteration_bounds = array<i64: 10>, scalar_prefetch = 0 : i64, scratch_operands = 0 : i64, tpu.core_type = #tpu.core_type<tc>, window_params = [{transform_indices = @transform_0, window_bounds = array<i64: 1000, 128>}, {transform_indices = @transform_1, window_bounds = array<i64: 1000, 128>}, {transform_indices = @transform_2, window_bounds = array<i64: 1000, 128>}, {pipeline_mode = #tpu.pipeline_mode<synchronous>, transform_indices = @transform_3, window_bounds = array<i64: 128, 128>}, {pipeline_mode = #tpu.pipeline_mode<synchronous>, transform_indices = @transform_4, window_bounds = array<i64: 128, 128>}, {pipeline_mode = #tpu.pipeline_mode<synchronous>, transform_indices = @transform_5, window_bounds = array<i64: 128, 16>}, {pipeline_mode = #tpu.pipeline_mode<synchronous>, transform_indices = @transform_6, window_bounds = array<i64: 1, 128>}, {pipeline_mode = #tpu.pipeline_mode<synchronous>, transform_indices = @transform_7, window_bounds = array<i64: 1, 16>}, {transform_indices = @transform_8, window_bounds = array<i64: 1000, 16>}, {transform_indices = @transform_9, window_bounds = array<i64: 1000, 128>}, {pipeline_mode = #tpu.pipeline_mode<synchronous>, transform_indices = @transform_10, window_bounds = array<i64: 16, 16>}]} {
    %get3A = arith.constant 0 : index
    %get3A_0 = arith.constant 0 : index
    %get3A_1 = vector.load %arg2[%get3A, %get3A_0] : memref<1000x128xf32, #tpu.memory_space<vmem>>, vector<1000x128xf32>
    %get3A_2 = arith.constant 0 : index
    %get3A_3 = arith.constant 0 : index
    %get3A_4 = vector.load %arg3[%get3A_2, %get3A_3] : memref<1000x128xf32, #tpu.memory_space<vmem>>, vector<1000x128xf32>
    %add3A = arith.addf %get3A_1, %get3A_4 : vector<1000x128xf32>
    %get3A_5 = arith.constant 0 : index
    %get3A_6 = arith.constant 0 : index
    %get3A_7 = vector.load %arg4[%get3A_5, %get3A_6] : memref<128x128xf32, #tpu.memory_space<vmem>>, vector<128x128xf32>
    %dot_general3A = arith.constant dense<0.000000e+00> : vector<1000x128xf32>
    %dot_general3A_8 = tpu.matmul %add3A, %get3A_7, %dot_general3A {dimension_numbers = #tpu.dot_dimension_numbers<[1], [0], [0], [1], [0, 0, 1, 1], [], []>, transpose_lhs_hint = false} : vector<1000x128xf32>, vector<128x128xf32>, vector<1000x128xf32> -> vector<1000x128xf32>
    %get3A_9 = arith.constant 0 : index
    %get3A_10 = arith.constant 0 : index
    %get3A_11 = vector.load %arg7[%get3A_9, %get3A_10] : memref<1x128xf32, #tpu.memory_space<vmem>>, vector<1x128xf32>
    %add3A_12 = vector.broadcast %get3A_11 : vector<1x128xf32> to vector<1000x128xf32>
    %add3A_13 = arith.addf %dot_general3A_8, %add3A_12 : vector<1000x128xf32>
    %get3A_14 = arith.constant 0 : index
    %get3A_15 = arith.constant 0 : index
    %get3A_16 = vector.load %arg1[%get3A_14, %get3A_15] : memref<1000x128xf32, #tpu.memory_space<vmem>>, vector<1000x128xf32>
    %get3A_17 = arith.constant 0 : index
    %get3A_18 = arith.constant 0 : index
    %get3A_19 = vector.load %arg5[%get3A_17, %get3A_18] : memref<128x128xf32, #tpu.memory_space<vmem>>, vector<128x128xf32>
    %dot_general3A_20 = arith.constant dense<0.000000e+00> : vector<1000x128xf32>
    %dot_general3A_21 = tpu.matmul %get3A_16, %get3A_19, %dot_general3A_20 {dimension_numbers = #tpu.dot_dimension_numbers<[1], [0], [0], [1], [0, 0, 1, 1], [], []>, transpose_lhs_hint = false} : vector<1000x128xf32>, vector<128x128xf32>, vector<1000x128xf32> -> vector<1000x128xf32>
    %add3A_22 = arith.addf %add3A_13, %dot_general3A_21 : vector<1000x128xf32>
    %max3A = arith.constant 0.000000e+00 : f32
    %max3A_23 = vector.broadcast %max3A : f32 to vector<1000x128xf32>
    %max3A_24 = arith.maximumf %add3A_22, %max3A_23 : vector<1000x128xf32>
    %get3A_25 = arith.constant 0 : index
    %get3A_26 = arith.constant 0 : index
    %get3A_27 = vector.load %arg6[%get3A_25, %get3A_26] : memref<128x16xf32, #tpu.memory_space<vmem>>, vector<128x16xf32>
    %dot_general3A_28 = arith.constant dense<0.000000e+00> : vector<1000x16xf32>
    %dot_general3A_29 = tpu.matmul %max3A_24, %get3A_27, %dot_general3A_28 {dimension_numbers = #tpu.dot_dimension_numbers<[1], [0], [0], [1], [0, 0, 1, 1], [], []>, transpose_lhs_hint = false} : vector<1000x128xf32>, vector<128x16xf32>, vector<1000x16xf32> -> vector<1000x16xf32>
    %get3A_30 = arith.constant 0 : index
    %get3A_31 = arith.constant 0 : index
    %get3A_32 = vector.load %arg8[%get3A_30, %get3A_31] : memref<1x16xf32, #tpu.memory_space<vmem>>, vector<1x16xf32>
    %add3A_33 = vector.broadcast %get3A_32 : vector<1x16xf32> to vector<1000x16xf32>
    %add3A_34 = arith.addf %dot_general3A_29, %add3A_33 : vector<1000x16xf32>
    %reduce_max3A = arith.constant dense<0xFF800000> : vector<1000xf32>
    %reduce_max3A_35 = vector.multi_reduction <maximumf>, %add3A_34, %reduce_max3A [1] : vector<1000x16xf32> to vector<1000xf32>
    %broadcast_in_dim3A = vector.shape_cast %reduce_max3A_35 : vector<1000xf32> to vector<1000x1xf32>
    %sub3A = vector.broadcast %broadcast_in_dim3A : vector<1000x1xf32> to vector<1000x16xf32>
    %sub3A_36 = arith.subf %add3A_34, %sub3A : vector<1000x16xf32>
    %exp3A = math.exp %sub3A_36 : vector<1000x16xf32>
    %reduce_sum3A = arith.constant dense<0.000000e+00> : vector<1000xf32>
    %reduce_sum3A_37 = vector.multi_reduction <add>, %exp3A, %reduce_sum3A [1] : vector<1000x16xf32> to vector<1000xf32>
    %broadcast_in_dim3A_38 = vector.shape_cast %reduce_sum3A_37 : vector<1000xf32> to vector<1000x1xf32>
    %div3A = vector.broadcast %broadcast_in_dim3A_38 : vector<1000x1xf32> to vector<1000x16xf32>
    %div3A_39 = arith.divf %exp3A, %div3A : vector<1000x16xf32>
    %swap3A = arith.constant 0 : index
    %swap3A_40 = arith.constant 0 : index
    %swap3A_41 = vector.load %arg9[%swap3A, %swap3A_40] : memref<1000x16xf32, #tpu.memory_space<vmem>>, vector<1000x16xf32>
    tpu.vector_store %arg9[%swap3A, %swap3A_40], %div3A_39 {strides = array<i32>} : memref<1000x16xf32, #tpu.memory_space<vmem>>, vector<1000x16xf32>,
    %broadcast_in_dim3A_42 = arith.constant 0.000000e+00 : f32
    %broadcast_in_dim3A_43 = vector.broadcast %broadcast_in_dim3A_42 : f32 to vector<1000x112xf32>
    %concatenate3A = tpu.concatenate %div3A_39, %broadcast_in_dim3A_43 in 1 : vector<1000x16xf32>, vector<1000x112xf32> -> vector<1000x128xf32>
    %swap3A_44 = arith.constant 0 : index
    %swap3A_45 = arith.constant 0 : index
    %swap3A_46 = vector.load %arg10[%swap3A_44, %swap3A_45] : memref<1000x128xf32, #tpu.memory_space<vmem>>, vector<1000x128xf32>
    tpu.vector_store %arg10[%swap3A_44, %swap3A_45], %concatenate3A {strides = array<i32>} : memref<1000x128xf32, #tpu.memory_space<vmem>>, vector<1000x128xf32>,
    %dot_general3A_47 = arith.constant dense<0.000000e+00> : vector<16x16xf32>
    %dot_general3A_48 = tpu.matmul %div3A_39, %div3A_39, %dot_general3A_47 {dimension_numbers = #tpu.dot_dimension_numbers<[0], [0], [1], [1], [0, 1, 1, 1], [], []>, transpose_lhs_hint = false} : vector<1000x16xf32>, vector<1000x16xf32>, vector<16x16xf32> -> vector<16x16xf32>
    %eq3A = arith.constant 0 : i32
    %eq3A_49 = arith.cmpi eq, %arg0, %eq3A : i32
    %convert_element_type3A = arith.extui %eq3A_49 : i1 to i32
    %cond3A = arith.constant 0 : i32
    %cond3A_50 = arith.cmpi ne, %convert_element_type3A, %cond3A : i32
    scf.if %cond3A_50 {
      %swap3A_55 = arith.constant 0 : index
      %swap3A_56 = arith.constant 0 : index
      %swap3A_57 = vector.load %arg11[%swap3A_55, %swap3A_56] : memref<16x16xf32, #tpu.memory_space<vmem>>, vector<16x16xf32>
      tpu.vector_store %arg11[%swap3A_55, %swap3A_56], %dot_general3A_48 {strides = array<i32>} : memref<16x16xf32, #tpu.memory_space<vmem>>, vector<16x16xf32>,
    } else {
    }
    %ne3A = arith.constant 0 : i32
    %ne3A_51 = arith.cmpi ne, %arg0, %ne3A : i32
    %convert_element_type3A_52 = arith.extui %ne3A_51 : i1 to i32
    %cond3A_53 = arith.constant 0 : i32
    %cond3A_54 = arith.cmpi ne, %convert_element_type3A_52, %cond3A_53 : i32
    scf.if %cond3A_54 {
      %get3A_55 = arith.constant 0 : index
      %get3A_56 = arith.constant 0 : index
      %get3A_57 = vector.load %arg11[%get3A_55, %get3A_56] : memref<16x16xf32, #tpu.memory_space<vmem>>, vector<16x16xf32>
      %add3A_58 = arith.addf %get3A_57, %dot_general3A_48 : vector<16x16xf32>
      %swap3A_59 = arith.constant 0 : index
      %swap3A_60 = arith.constant 0 : index
      %swap3A_61 = vector.load %arg11[%swap3A_59, %swap3A_60] : memref<16x16xf32, #tpu.memory_space<vmem>>, vector<16x16xf32>
      tpu.vector_store %arg11[%swap3A_59, %swap3A_60], %add3A_58 {strides = array<i32>} : memref<16x16xf32, #tpu.memory_space<vmem>>, vector<16x16xf32>,
    } else {
    }
    return
  }
  func.func @transform_0(%arg0: i32) -> (i32, i32) {
    %c0_i32 = arith.constant 0 : i32
    %c0_i32_0 = arith.constant 0 : i32
    return %arg0, %c0_i32 : i32, i32
  }
  func.func @transform_1(%arg0: i32) -> (i32, i32) {
    %c0_i32 = arith.constant 0 : i32
    %c0_i32_0 = arith.constant 0 : i32
    return %arg0, %c0_i32 : i32, i32
  }
  func.func @transform_2(%arg0: i32) -> (i32, i32) {
    %c0_i32 = arith.constant 0 : i32
    %c0_i32_0 = arith.constant 0 : i32
    return %arg0, %c0_i32 : i32, i32
  }
  func.func @transform_3(%arg0: i32) -> (i32, i32) {
    %c0_i32 = arith.constant 0 : i32
    %c0_i32_0 = arith.constant 0 : i32
    %c0_i32_1 = arith.constant 0 : i32
    return %c0_i32, %c0_i32_0 : i32, i32
  }
  func.func @transform_4(%arg0: i32) -> (i32, i32) {
    %c0_i32 = arith.constant 0 : i32
    %c0_i32_0 = arith.constant 0 : i32
    %c0_i32_1 = arith.constant 0 : i32
    return %c0_i32, %c0_i32_0 : i32, i32
  }
  func.func @transform_5(%arg0: i32) -> (i32, i32) {
    %c0_i32 = arith.constant 0 : i32
    %c0_i32_0 = arith.constant 0 : i32
    %c0_i32_1 = arith.constant 0 : i32
    return %c0_i32, %c0_i32_0 : i32, i32
  }
  func.func @transform_6(%arg0: i32) -> (i32, i32) {
    %c0_i32 = arith.constant 0 : i32
    %c0_i32_0 = arith.constant 0 : i32
    %c0_i32_1 = arith.constant 0 : i32
    return %c0_i32, %c0_i32_0 : i32, i32
  }
  func.func @transform_7(%arg0: i32) -> (i32, i32) {
    %c0_i32 = arith.constant 0 : i32
    %c0_i32_0 = arith.constant 0 : i32
    %c0_i32_1 = arith.constant 0 : i32
    return %c0_i32, %c0_i32_0 : i32, i32
  }
  func.func @transform_8(%arg0: i32) -> (i32, i32) {
    %c0_i32 = arith.constant 0 : i32
    %c0_i32_0 = arith.constant 0 : i32
    return %arg0, %c0_i32 : i32, i32
  }
  func.func @transform_9(%arg0: i32) -> (i32, i32) {
    %c0_i32 = arith.constant 0 : i32
    %c0_i32_0 = arith.constant 0 : i32
    return %arg0, %c0_i32 : i32, i32
  }
  func.func @transform_10(%arg0: i32) -> (i32, i32) {
    %c0_i32 = arith.constant 0 : i32
    %c0_i32_0 = arith.constant 0 : i32
    %c0_i32_1 = arith.constant 0 : i32
    return %c0_i32, %c0_i32_0 : i32, i32
  }
}

module attributes {stable_mosaic.version = 14 : i64} {
  func.func @_zero_body(%arg0: i32, %arg1: memref<4194304xf32, #tpu.memory_space<vmem>>) attributes {dimension_semantics = [#tpu.dimension_semantics<arbitrary>], iteration_bounds = array<i64: 24>, scalar_prefetch = 0 : i64, scratch_operands = 0 : i64, tpu.core_type = #tpu.core_type<tc>, window_params = [{transform_indices = @transform_0, window_bounds = array<i64: 4194304>}]} {
    %broadcast_in_dim3A = arith.constant 0.000000e+00 : f32
    %broadcast_in_dim3A_0 = vector.broadcast %broadcast_in_dim3A : f32 to vector<4194304xf32>
    %swap3A = arith.constant 0 : index
    %swap3A_1 = vector.load %arg1[%swap3A] : memref<4194304xf32, #tpu.memory_space<vmem>>, vector<4194304xf32>
    tpu.vector_store %arg1[%swap3A], %broadcast_in_dim3A_0 {strides = array<i32>} : memref<4194304xf32, #tpu.memory_space<vmem>>, vector<4194304xf32>,
    return
  }
  func.func @transform_0(%arg0: i32) -> i32 {
    %c0_i32 = arith.constant 0 : i32
    return %arg0 : i32
  }
}

module attributes {stable_mosaic.version = 14 : i64} {
  func.func @_csum_body(%arg0: memref<2x160000xf32, #tpu.memory_space<vmem>>, %arg1: memref<160000xf32, #tpu.memory_space<vmem>>) attributes {dimension_semantics = [], scalar_prefetch = 0 : i64, scratch_operands = 0 : i64, tpu.core_type = #tpu.core_type<tc>} {
    %get3A = arith.constant 0 : index
    %get3A_0 = arith.constant 0 : index
    %get3A_1 = vector.load %arg0[%get3A, %get3A_0] : memref<2x160000xf32, #tpu.memory_space<vmem>>, vector<1x160000xf32>
    %get3A_2 = vector.shape_cast %get3A_1 : vector<1x160000xf32> to vector<160000xf32>
    %get3A_3 = arith.constant 1 : index
    %get3A_4 = arith.constant 0 : index
    %get3A_5 = vector.load %arg0[%get3A_3, %get3A_4] : memref<2x160000xf32, #tpu.memory_space<vmem>>, vector<1x160000xf32>
    %get3A_6 = vector.shape_cast %get3A_5 : vector<1x160000xf32> to vector<160000xf32>
    %add3A = arith.addf %get3A_2, %get3A_6 : vector<160000xf32>
    %swap3A = arith.constant 0 : index
    %swap3A_7 = vector.load %arg1[%swap3A] : memref<160000xf32, #tpu.memory_space<vmem>>, vector<160000xf32>
    tpu.vector_store %arg1[%swap3A], %add3A {strides = array<i32>} : memref<160000xf32, #tpu.memory_space<vmem>>, vector<160000xf32>,
    return
  }
}

module attributes {stable_mosaic.version = 14 : i64} {
  func.func @_scalar_body(%arg0: memref<16x16xf32, #tpu.memory_space<vmem>>, %arg1: memref<32x32xf32, #tpu.memory_space<vmem>>, %arg2: memref<1x1xf32, #tpu.memory_space<vmem>>, %arg3: memref<1x1xf32, #tpu.memory_space<vmem>>) attributes {dimension_semantics = [], scalar_prefetch = 0 : i64, scratch_operands = 0 : i64, tpu.core_type = #tpu.core_type<tc>} {
    %get3A = arith.constant 0 : index
    %get3A_0 = arith.constant 0 : index
    %get3A_1 = vector.load %arg0[%get3A, %get3A_0] : memref<16x16xf32, #tpu.memory_space<vmem>>, vector<16x16xf32>
    %mul3A = arith.mulf %get3A_1, %get3A_1 : vector<16x16xf32>
    %reduce_sum3A = vector.shape_cast %mul3A : vector<16x16xf32> to vector<1x16x16xf32>
    %reduce_sum3A_2 = arith.constant dense<0.000000e+00> : vector<1xf32>
    %reduce_sum3A_3 = vector.multi_reduction <add>, %reduce_sum3A, %reduce_sum3A_2 [1, 2] : vector<1x16x16xf32> to vector<1xf32>
    %reduce_sum3A_4 = vector.shape_cast %reduce_sum3A_3 : vector<1xf32> to vector<1x1x1xf32>
    %reduce_sum3A_5 = vector.extract %reduce_sum3A_4[0, 0, 0] : f32 from vector<1x1x1xf32>
    %sqrt3A = math.sqrt %reduce_sum3A_5 : f32
    %iota3A = tpu.iota {dimensions = array<i32: 0>} : vector<16x16xi32>
    %iota3A_6 = tpu.iota {dimensions = array<i32: 1>} : vector<16x16xi32>
    %eq3A = arith.cmpi eq, %iota3A, %iota3A_6 : vector<16x16xi32>
    %jit3A = arith.constant 1.000000e+00 : f32
    %jit3A_7 = arith.constant 0.000000e+00 : f32
    %broadcast_in_dim3A = vector.broadcast %jit3A : f32 to vector<16x16xf32>
    %broadcast_in_dim3A_8 = vector.broadcast %jit3A_7 : f32 to vector<16x16xf32>
    %select_n3A = arith.select %eq3A, %broadcast_in_dim3A, %broadcast_in_dim3A_8 : vector<16x16xi1>, vector<16x16xf32>
    %div3A = vector.broadcast %sqrt3A : f32 to vector<16x16xf32>
    %div3A_9 = arith.divf %get3A_1, %div3A : vector<16x16xf32>
    %sqrt3A_10 = arith.constant 1.600000e+01 : f32
    %sqrt3A_11 = math.sqrt %sqrt3A_10 : f32
    %div3A_12 = vector.broadcast %sqrt3A_11 : f32 to vector<16x16xf32>
    %div3A_13 = arith.divf %select_n3A, %div3A_12 : vector<16x16xf32>
    %sub3A = arith.subf %div3A_9, %div3A_13 : vector<16x16xf32>
    %mul3A_14 = arith.mulf %sub3A, %sub3A : vector<16x16xf32>
    %reduce_sum3A_15 = vector.shape_cast %mul3A_14 : vector<16x16xf32> to vector<1x16x16xf32>
    %reduce_sum3A_16 = arith.constant dense<0.000000e+00> : vector<1xf32>
    %reduce_sum3A_17 = vector.multi_reduction <add>, %reduce_sum3A_15, %reduce_sum3A_16 [1, 2] : vector<1x16x16xf32> to vector<1xf32>
    %reduce_sum3A_18 = vector.shape_cast %reduce_sum3A_17 : vector<1xf32> to vector<1x1x1xf32>
    %reduce_sum3A_19 = vector.extract %reduce_sum3A_18[0, 0, 0] : f32 from vector<1x1x1xf32>
    %sqrt3A_20 = math.sqrt %reduce_sum3A_19 : f32
    %reshape3A = vector.broadcast %sqrt3A_20 : f32 to vector<1x1xf32>
    %swap3A = arith.constant 0 : index
    %swap3A_21 = arith.constant 0 : index
    %swap3A_22 = vector.load %arg3[%swap3A, %swap3A_21] : memref<1x1xf32, #tpu.memory_space<vmem>>, vector<1x1xf32>
    tpu.vector_store %arg3[%swap3A, %swap3A_21], %reshape3A {strides = array<i32>} : memref<1x1xf32, #tpu.memory_space<vmem>>, vector<1x1xf32>,
    %get3A_23 = arith.constant 0 : index
    %get3A_24 = arith.constant 0 : index
    %get3A_25 = vector.load %arg1[%get3A_23, %get3A_24] : memref<32x32xf32, #tpu.memory_space<vmem>>, vector<32x32xf32>
    %slice3A = vector.extract_strided_slice %get3A_25 {offsets = [0, 0], sizes = [32, 16], strides = [1, 1]} : vector<32x32xf32> to vector<32x16xf32>
    %reduce_sum3A_26 = vector.shape_cast %slice3A : vector<32x16xf32> to vector<1x32x16xf32>
    %reduce_sum3A_27 = arith.constant dense<0.000000e+00> : vector<1xf32>
    %reduce_sum3A_28 = vector.multi_reduction <add>, %reduce_sum3A_26, %reduce_sum3A_27 [1, 2] : vector<1x32x16xf32> to vector<1xf32>
    %reduce_sum3A_29 = vector.shape_cast %reduce_sum3A_28 : vector<1xf32> to vector<1x1x1xf32>
    %reduce_sum3A_30 = vector.extract %reduce_sum3A_29[0, 0, 0] : f32 from vector<1x1x1xf32>
    %slice3A_31 = vector.extract_strided_slice %get3A_25 {offsets = [0, 16], sizes = [32, 16], strides = [1, 1]} : vector<32x32xf32> to vector<32x16xf32>
    %reduce_sum3A_32 = vector.shape_cast %slice3A_31 : vector<32x16xf32> to vector<1x32x16xf32>
    %reduce_sum3A_33 = arith.constant dense<0.000000e+00> : vector<1xf32>
    %reduce_sum3A_34 = vector.multi_reduction <add>, %reduce_sum3A_32, %reduce_sum3A_33 [1, 2] : vector<1x32x16xf32> to vector<1xf32>
    %reduce_sum3A_35 = vector.shape_cast %reduce_sum3A_34 : vector<1xf32> to vector<1x1x1xf32>
    %reduce_sum3A_36 = vector.extract %reduce_sum3A_35[0, 0, 0] : f32 from vector<1x1x1xf32>
    %div3A_37 = arith.divf %reduce_sum3A_30, %reduce_sum3A_36 : f32
    %neg3A = arith.constant 0.000000e+00 : f32
    %neg3A_38 = arith.subf %neg3A, %div3A_37 : f32
    %reshape3A_39 = vector.broadcast %neg3A_38 : f32 to vector<1x1xf32>
    %swap3A_40 = arith.constant 0 : index
    %swap3A_41 = arith.constant 0 : index
    %swap3A_42 = vector.load %arg2[%swap3A_40, %swap3A_41] : memref<1x1xf32, #tpu.memory_space<vmem>>, vector<1x1xf32>
    tpu.vector_store %arg2[%swap3A_40, %swap3A_41], %reshape3A_39 {strides = array<i32>} : memref<1x1xf32, #tpu.memory_space<vmem>>, vector<1x1xf32>,
    return
  }
}

</mosaic_0001>

<sc_bundles>
// kernel: kernel.10.cloned.1.call-start
scs
__scs_entry_jumppad:
0x0: {  	(pc) =	sbr.rel $0x88, $3  }
0x1: {  	(tag) =	ssettag $0x0;
	lr =	simm.s32 $0x1  }
0x2: {  	[smem:$0x3F99] =	sst lr;
	_ =	strace $0xD0000000  }
0x3: {  	_ = 	snop  }
0x4: {  	_ = 	snop  }
0x5: {  	_ = 	snop  }
0x6: {  	_ = 	snop  }
0x7: {  	_ = 	snop  }
__scs_overlays_trampoline_lowered:
0x8: {  	[smem:$0x3FA8] =	sst s0  }
0x9: {  	[smem:$0x3FA9] =	sst s1  }
0xa: {  	[smem:$0x3FAA] =	sst s2  }
0xb: {  	[smem:$0x3FAB] =	sst s3  }
0xc: {  	[smem:$0x3FAC] =	sst s4  }
0xd: {  	[smem:$0x3FAD] =	sst s5  }
0xe: {  	[smem:$0x3FAE] =	sst s6  }
0xf: {  	[smem:$0x3FAF] =	sst s7  }
0x10: {  	[smem:$0x3FB0] =	sst s8  }
0x11: {  	[smem:$0x3FB1] =	sst s9;
	s0 =	simm.s32 @!p0 $0x0  }
0x12: {  	s1 =	sld [smem:$0x3F97];
	s0 =	simm.s32 @p0 $0x1  }
0x13: {  	[smem:$0x3FB2] =	sst s0;
	s0 =	simm.s32 @!p1 $0x0  }
0x14: {  	s2 =	sld [smem:$0x3F96];
	s0 =	simm.s32 @p1 $0x1  }
0x15: {  	[smem:$0x3FB3] =	sst s0;
	s0 =	simm.s32 @!p2 $0x0  }
0x16: {  	s3 =	sld [smem:$0x3FDB];
	s0 =	simm.s32 @p2 $0x1  }
0x17: {  	s4 =	simm.s32 $0x1BF5;
	[smem:$0x3FB5] =	sst s0  }
0x18: {  	s0 =	sld [smem:$0x3F98];
	_ =	swait.ge [sflag:s4], $0x0  }
0x19: {  	s7 =	sld [smem:$0x3F99]  }
0x1a: {  	s8 =	sadd.s32 $0xFFFFE003, lr  }
0x1b: {  	s9 =	sadd.s32 $0xFFFFFEF7, lr;
	s5 =	simm.s32 $0xFFFFFFFF;
	p2 =	slt.u32 s8, $0xFFFFF086  }
0x1c: {  	p1 =	slt.u32 s9, $0xF7A;
	s5 =	simm.s32 @!p2 $0x0  }
0x1d: {  	s5 =	simm.s32 @p1 $0x1;
	p0 =	seq.s32 s7, s2  }
0x1e: {  	s7 =	smul.u32 @!p0 $0xF7A, s2;
	p2 =	seq.s32 @!p0 s5, $0x0  }
0x1f: {  	s9 =	smul.u32 $0xF7A, s1;
	s8 =	simm.s32 @!p0 $0x1BF5;
	p2 =	por !p2, p0  }
0x20: {  	[sflag:s8] =	ssyncset.s32 @!p0 $0xFFFFF086;
	s6 =	sadd.s32 @!p0 s3, s7;
	s7 =	simm.s32 @!p0 $0x108  }
0x21: {  	s3 =	sadd.s32 s3, s9;
	s6 =	sadd.s32 @!p0 $0x88, s6;
	s7 =	simm.s32 @p2 $0x1082  }
0x22: {  	[simem:s7], [sflag:s8] =	dma.local @!p0 [hbm:s6], $0xF7A  }
0x23: {  	s9 =	sor.u32 $0xD0000000, s2;
	s6 =	simm.s32 $0x108;
	_ =	swait.ge @!p0 [sflag:s8], $0x0  }
0x24: {  	s3 =	sadd.s32 $0x88, s3;
	s6 =	simm.s32 @!p1 $0x1082;
	[sflag:s4] =	ssyncset.s32 $0xFFFFF086  }
0x25: {  	[simem:s6], [sflag:s4] =	dma.local [hbm:s3], $0xF7A  }
0x26: {  	[smem:$0x3F99] =	sst s1;
	(tag) =	ssettag s2;
	_ =	strace s9  }
0x27: {  	s1 =	sld [smem:$0x3FA9]  }
0x28: {  	s2 =	sld [smem:$0x3FAA]  }
0x29: {  	s4 =	sld [smem:$0x3FAC]  }
0x2a: {  	p0 =	seq.s32 s5, $0x0;
	s5 =	sld [smem:$0x3FAD]  }
0x2b: {  	s6 =	sld [smem:$0x3FAE]  }
0x2c: {  	s7 =	sld [smem:$0x3FAF]  }
0x2d: {  	s3 =	simm.s32 $0x108;
	s8 =	sld [smem:$0x3FB0]  }
0x2e: {  	s3 =	simm.s32 @!p0 $0x1082;
	s9 =	sld [smem:$0x3FB1]  }
0x2f: {  	lr =	sadd.s32 s0, s3;
	s0 =	sld [smem:$0x3FA8]  }
0x30: {  	s3 =	sld [smem:$0x3FAB]  }
0x31: {  	[smem:$0x3FB4] =	sst s10  }
0x32: {  	s10 =	sld [smem:$0x3FB2];
	_ =	sdelay $0x3  }
0x33: {  	p0 =	seq.s32 s10, $0x1;
	s10 =	sld [smem:$0x3FB4];
	_ =	sdelay $0x3  }
0x34: {  	[smem:$0x3FB4] =	sst s10  }
0x35: {  	s10 =	sld [smem:$0x3FB3];
	_ =	sdelay $0x3  }
0x36: {  	p1 =	seq.s32 s10, $0x1;
	s10 =	sld [smem:$0x3FB4];
	_ =	sdelay $0x3  }
0x37: {  	[smem:$0x3FB4] =	sst s10  }
0x38: {  	s10 =	sld [smem:$0x3FB5]  }
0x39: {  	_ = 	snop;
	(pc) =	sbr.ind lr, $3  }
0x3a: {  	_ = 	snop  }
0x3b: {  	_ = 	snop  }
0x3c: {  	p2 =	seq.s32 s10, $0x1;
	s10 =	sld [smem:$0x3FB4]  }
0x3d: {  	_ =	shalt  }
0x3e: {  	_ =	shalt  }
0x3f: {  	_ =	shalt  }
0x40: {  	_ =	shalt  }
0x41: {  	_ =	shalt  }
0x42: {  	_ =	shalt  }
0x43: {  	_ =	shalt  }
0x44: {  	_ =	shalt  }
0x45: {  	_ =	shalt  }
0x46: {  	_ =	shalt  }
0x47: {  	_ =	shalt  }
0x48: {  	_ =	shalt  }
0x49: {  	_ =	shalt  }
0x4a: {  	_ =	shalt  }
0x4b: {  	_ =	shalt  }
0x4c: {  	_ =	shalt  }
0x4d: {  	_ =	shalt  }
0x4e: {  	_ =	shalt  }
0x4f: {  	_ =	shalt  }
0x50: {  	_ =	shalt  }
0x51: {  	_ =	shalt  }
0x52: {  	_ =	shalt  }
0x53: {  	_ =	shalt  }
0x54: {  	_ =	shalt  }
0x55: {  	_ =	shalt  }
0x56: {  	_ =	shalt  }
0x57: {  	_ =	shalt  }
0x58: {  	_ =	shalt  }
0x59: {  	_ =	shalt  }
0x5a: {  	_ =	shalt  }
0x5b: {  	_ =	shalt  }
0x5c: {  	_ =	shalt  }
0x5d: {  	_ =	shalt  }
0x5e: {  	_ =	shalt  }
0x5f: {  	_ =	shalt  }
0x60: {  	_ =	shalt  }
0x61: {  	_ =	shalt  }
0x62: {  	_ =	shalt  }
0x63: {  	_ =	shalt  }
0x64: {  	_ =	shalt  }
0x65: {  	_ =	shalt  }
0x66: {  	_ =	shalt  }
0x67: {  	_ =	shalt  }
0x68: {  	_ =	shalt  }
0x69: {  	_ =	shalt  }
0x6a: {  	_ =	shalt  }
0x6b: {  	_ =	shalt  }
0x6c: {  	_ =	shalt  }
0x6d: {  	_ =	shalt  }
0x6e: {  	_ =	shalt  }
0x6f: {  	_ =	shalt  }
0x70: {  	_ =	shalt  }
0x71: {  	_ =	shalt  }
0x72: {  	_ =	shalt  }
0x73: {  	_ =	shalt  }
0x74: {  	_ =	shalt  }
0x75: {  	_ =	shalt  }
0x76: {  	_ =	shalt  }
0x77: {  	_ =	shalt  }
0x78: {  	_ =	shalt  }
0x79: {  	_ =	shalt  }
0x7a: {  	_ =	shalt  }
0x7b: {  	_ =	shalt  }
0x7c: {  	_ =	shalt  }
0x7d: {  	_ =	shalt  }
0x7e: {  	_ =	shalt  }
0x7f: {  	_ =	shalt  }
0x80: {  	_ =	shalt  }
0x81: {  	_ =	shalt  }
0x82: {  	_ =	shalt  }
0x83: {  	_ =	shalt  }
0x84: {  	_ =	shalt  }
0x85: {  	_ =	shalt  }
0x86: {  	_ =	shalt  }
0x87: {  	_ =	shalt  }
.Lfunc_end0:
.L_simem_size_0:
called_computation_lowered:
.L_overlay_start_0:
0x88: {  	s2 =	sld [smem:$0x3FD9]  }
0x89: {  	s3 =	sld [smem:$0x3FFE];
	_ =	sdelay $0x1  }
0x8a: {  	s1 =	srdreg.scid  }
0x8b: {  	s0 =	sand.u32 $0x1, s1  }
0x8c: {  	s14 =	sshll.u32 s0, $0xA;
	s2 =	sadd.s32 s3, s2  }
0x8d: {  	s2 =	sadd.s32 s2, s14  }
0x8e: {  	[smem:$0x3FC0] =	sst s2  }
0x8f: {  	_ = 	snop  }
0x90: {  	s2 =	sld [smem:$0x3FD0];
	_ =	sdelay $0x1  }
0x91: {  	s15 =	sld [smem:$0x3FC9]  }
0x92: {  	s5 =	simm.s32 $0xB;
	s6 =	simm.s32 $0x10;
	s4 =	sld [smem:$0x3FC7]  }
0x93: {  	[smem:s6], [sflag:s5] =	dma.local [hbm:s2], $0x1  }
0x94: {  	_ =	swait.eq [sflag:s5], $0x1  }
0x95: {  	[sflag:s5] =	ssyncset.done $0x0  }
0x96: {  	s16 =	sld [smem:$0x10];
	[sflag:s5] =	ssyncadd.s32 $0xFFFFFFFF  }
0x97: {  	s17 =	sld [smem:$0x13];
	(tm) =	ssettm $0x1  }
0x98: {  	s18 =	sld [smem:$0x3FFB];
	_ =	sdelay $0x3  }
0x99: {  	_ =	strace s18  }
0x9a: {  	s6 =	sld [smem:$0x3FFC];
	_ =	sdelay $0x3  }
0x9b: {  	_ =	strace s6  }
0x9c: {  	s6 =	sld [smem:$0x3FFD];
	_ =	sdelay $0x3  }
0x9d: {  	_ =	strace s6  }
0x9e: {  	_ =	strace $0x8FFFFFFF  }
0x9f: {  	s19 =	sld [smem:$0x3FDB];
	_ =	sdelay $0x1  }
0xa0: {  	s7 =	simm.s32 $_scs_section_size  }
0xa1: {  	s8 =	simm.s32 $_size__tile_overlayer_lowered;
	s9 =	simm.s32 $_tile_overlayer_lowered  }
0xa2: {  	s22 =	simm.s32 $0x1BFF;
	s21 =	sshll.u32 s9, $0x1;
	s6 =	sadd.s32 s7, s19  }
0xa3: {  	s10 =	simm.s32 $0x0;
	s20 =	sshll.u32 s8, $0x1;
	s8 =	sadd.s32 s21, s6  }
0xa4: {  	[timem:s10], [sflag:s22] =	dma.local [hbm:s8], s20  }
0xa5: {  	_ =	swait.ge [sflag:s22], s20  }
0xa6: {  	s7 =	ssub.s32 $0x0, s20;
	[sflag:s22] =	ssyncset.done $0x0  }
0xa7: {  	[sflag:s22] =	ssyncadd.s32 s7;
	_ =	sdelay $0x1  }
0xa8: {  	s23 =	simm.s32 $0x1B8B  }
0xa9: {  	_ =	swait.ge [sflag:s23], $0x1  }
0xaa: {  	[sflag:s23] =	ssyncset.done $0x0  }
0xab: {  	s25 =	simm.s32 $0x1B8E;
	s24 =	sld [smem:$0x3FFE];
	[sflag:s23] =	ssyncadd.s32 $0xFFFFFFFF  }
0xac: {  	s26 =	simm.s32 $execute0_lowered;
	[smem:$0x3FD2] =	sst s25  }
0xad: {  	s8 =	sshll.u32 s26, $0x1;
	_ =	strace $0x80000046;
	[dreg:$0x1] =	wrdreg $0xFFFFFFFF  }
0xae: {  	s28 =	simm.s32 $_size_execute0_lowered;
	s6 =	sadd.s32 s6, s8;
	[dreg:$0x0] =	wrdreg $0x0  }
0xaf: {  	s8 =	sshll.u32 s28, $0x1;
	[dreg:$0x2] =	wrdreg s6  }
0xb0: {  	[dreg:$0x3] =	wrdreg s8  }
0xb1: {  	[dreg:$0x4] =	wrdreg $0xC0  }
0xb2: {  	_ =	task [dreg:s10], $0x5FFFF  }
0xb3: {  	[dreg:$0x1] =	wrdreg $0xFFFFFFFF  }
0xb4: {  	[dreg:$0x0] =	wrdreg $0x60  }
0xb5: {  	[dreg:$0x2] =	wrdreg s24  }
0xb6: {  	[dreg:$0x3] =	wrdreg s4  }
0xb7: {  	[dreg:$0x4] =	wrdreg s15  }
0xb8: {  	[dreg:$0x5] =	wrdreg s16  }
0xb9: {  	[dreg:$0x6] =	wrdreg s17  }
0xba: {  	[dreg:$0x7] =	wrdreg $0x67000  }
0xbb: {  	[dreg:$0x8] =	wrdreg $0x9  }
0xbc: {  	_ =	task.clear_ibuf [dreg:s10], $0x9FFFF;
	_ =	strace $0x90000046  }
0xbd: {  	s29 =	simm.s32 $0x9;
	_ =	strace $0x80000048  }
0xbe: {  	_ =	swait.ge [sflag:s29], $0x1  }
0xbf: {  	[sflag:s29] =	ssyncadd.s32 $0xFFFFFFFF  }
0xc0: {  	_ =	strace $0x90000048  }
0xc1: {  	_ =	sfence  }
0xc2: {  	s30 =	sld [smem:$0x0];
	_ =	sdelay $0x2  }
0xc3: {  	s31 =	sshll.u32 s1, $0xD;
	s1 =	sshrl.u32 s1, $0x2  }
0xc4: {  	s3 =	sand.u32 $0x4000, s31;
	s1 =	sadd.s32 s1, s30  }
0xc5: {  	s0 =	sor.u32 s3, s0;
	s1 =	sshll.u32 s1, $0x11  }
0xc6: {  	s0 =	sor.u32 s1, s0  }
0xc7: {  	s0 =	sadd.s32 $0x8F2B, s0  }
0xc8: {  	[sflag:s0] =	ssyncadd.remote.s32 $0x1  }
0xc9: {  	_ =	sfence.sel $0xFFFF  }
0xca: {  	[dreg:$0x0] =	wrdreg $0xFFFFFFFF;
	(pc) =	sbr.abs _section_cstart, $3  }
0xcb: {  	[dreg:$0x1] =	wrdreg $0xFFFFFFFF  }
0xcc: {  	_ =	task.clear_ibuf [dreg:s10], $0x2FFFF;
	_ =	strace $0x9FFFFFFF  }
0xcd: {  	(tm) =	ssettm $0x7FFFFFFF  }
tec
execute0_lowered:
.L_overlay_start_1:
0x0: {  	(tag) =	ssettag $0x1  }
0x1: {  	s8 =	rddreg [dreg:$0x0]  }
0x2: {  	s1 =	rddreg [dreg:$0x1]  }
0x3: {  	s2 =	rddreg [dreg:$0x2]  }
0x4: {  	s3 =	rddreg [dreg:$0x3]  }
0x5: {  	s11 =	rddreg [dreg:$0x4]  }
0x6: {  	s4 =	rddreg [dreg:$0x5]  }
0x7: {  	s0 =	rddreg [dreg:$0x6];
	s6 =	simm.s32 $0x0;
	s9 =	srdreg.scid  }
0x8: {  	s5 =	stileid.u32;
	s17 =	simm.s32 $0xC8;
	s18 =	simm.s32 $0x300  }
0x9: {  	s19 =	simm.s32 $0x1;
	[smem:$0x7FF] =	sst s6;
	s7 =	sadd.s32 $0x7C00, s8  }
0xa: {  	s9 =	sand.u32 $0x1, s9;
	s10 =	smul.u32 $0x50000, s5;
	s8 =	sadd.s32 $0x2C00, s8  }
0xb: {  	s15 =	sshll.u32 s5, $0x1;
	s16 =	smul.u32 $0x14000, s5;
	s31 =	sshll.u32 s5, $0x6  }
0xc: {  	_ =	strace $0x80000047;
	s12 =	ssub.s32 $0x2, s9;
	s13 =	smul.u32 $0x140000, s9  }
0xd: {  	s28 =	sor.u32 s9, s15;
	s9 =	sor.u32 $0x1C02, s31;
	s15 =	simm.s32 $0x100  }
0xe: {  	s14 =	sshrl.u32 s12, $0x1;
	s29 =	sshrl.u32 s10, $0x2;
	s10 =	smul.u32 $0x1388, s28  }
0xf: {  	s12 =	ssub.s32 s12, s14;
	s30 =	sadd.s32 s29, s4;
	s13 =	sadd.s32 s16, s13  }
0x10: {  	s14 =	simm.s32 $0x2;
	s16 =	simm.s32 $0x200;
	s13 =	sshrl.u32 s13, $0x3  }
0x11: {  	s12 =	smax.u32 s12, $0x1;
	s11 =	sadd.s32 s11, s13;
	s13 =	sshrl.u32 s30, $0x3  }
.LBB2_1:
0x12: {  	[spmem:s13], [sflag:s9] =	dma.local [hbm:s3], $0x2800  }
0x13: {  	_ =	swait.ge [sflag:s14], $0x2800  }
0x14: {  	[sflag:s14] =	ssyncset.done $0x0  }
0x15: {  	[sflag:s14] =	ssyncadd.s32 $0xFFFFD800  }
0x16: {  	s20 =	simm.s32 $0x0;
	[bflag:$0x0] =	sbarrier.arrive $0xFFFF  }
.LBB2_2:
0x17: {  	s21 =	smul.u32 $0xC8, s20;
	_ =	sdelay $0x1  }
0x18: {  	s21 =	sadd.s32 s10, s21  }
0x19: {  	s21 =	sshrl.u32 s21, $0x3  }
0x1a: {  	s23 =	simm.s32 $0x0;
	s22 =	sadd.s32 s7, s21  }
0x1b: {  	[tilespmem:s23], [sflag:$0x2] =	stream.linear.gather [hbm4b:s22+s23], $0xC8, $0x38;
	[tilespmem:$0x1A700] =	vst v63  }
0x1c: {  	_ =	swait.ge [sflag:s14], $0xC8  }
0x1d: {  	[sflag:s14] =	ssyncset.done $0x0  }
0x1e: {  	s31 =	sadd.s32 s8, s21;
	[sflag:s14] =	ssyncadd.s32 $0xFFFFFF38  }
0x1f: {  	[tilespmem:s15], [sflag:$0x2] =	stream.linear.gather [hbm4b:s31+s23], $0xC8, $0x38;
	[tilespmem:$0x1A700] =	vst v63  }
0x20: {  	_ =	swait.ge [sflag:s14], $0xC8  }
0x21: {  	[sflag:s14] =	ssyncset.done $0x0  }
0x22: {  	s21 =	sadd.s32 s1, s21;
	[sflag:s14] =	ssyncadd.s32 $0xFFFFFF38  }
0x23: {  	[tilespmem:s16], [sflag:$0x2] =	stream.linear.gather [hbm4b:s21+s23], $0xC8, $0x38;
	[tilespmem:$0x1A700] =	vst v63  }
0x24: {  	_ =	swait.ge [sflag:s14], $0xC8  }
0x25: {  	[sflag:s14] =	ssyncset.done $0x0  }
0x26: {  	[sflag:s14] =	ssyncadd.s32 $0xFFFFFF38  }
0x27: {  	[tilespmem:s18], [sflag:$0x1] =	stream.indirect.gather [hbm4b:s2+s17], $0x80, s23, s17, $0xb8;
	[tilespmem:$0x1A700] =	vst v63  }
0x28: {  	_ =	swait.ge [sflag:s19], $0x6400  }
0x29: {  	v0 =	vmov s23;
	[sflag:s19] =	ssyncset.done $0x0  }
0x2a: {  	s21 =	simm.s32 $0x340;
	[sflag:s19] =	ssyncadd.s32 $0xFFFF9C00  }
0x2b: {  	v4 =	vld [tilespmem:s21+$0x30]  }
0x2c: {  	v7 =	vld [tilespmem:s21+$0x10]  }
0x2d: {  	v5 =	vld [tilespmem:s21+$0xFFFFFFC0]  }
0x2e: {  	v1 =	vld.idx.msk [tilespmem:v0+s16+$0x0], $0xffff  }
0x2f: {  	v9 =	vld [tilespmem:s21+$0xFFFFFFE0]  }
0x30: {  	v0 =	vld [tilespmem:s21+$0xFFFFFFF0]  }
0x31: {  	v2 =	vld [tilespmem:s21+$0x20]  }
0x32: {  	v3 =	vld [tilespmem:s21+$0xFFFFFFD0]  }
0x33: {  	v8 =	vmul.f32 v4, v1;
	v4 =	vld [tilespmem:s21+$0x0]  }
0x34: {  	v6 =	vmul.f32 v5, v1  }
0x35: {  	s22 =	simm.s32 $0x1;
	s23 =	simm.s32 $0x340;
	v5 =	vmul.f32 v9, v1;
	v7 =	vmul.f32 v7, v1  }
.LBB2_3:
0x36: {  	p0 =	sne.s32 s22, $0xC7  }
0x37: {  	v3 =	vmul.f32 v3, v1;
	v2 =	vmul.f32 v2, v1;
	[tilespmem:s21+$0x30] =	vst v8;
	s23 =	sadd.s32 $0x80, s23;
	s24 =	smov.u32 s22;
	s22 =	sadd.s32 $0x1, s22  }
0x38: {  	[tilespmem:s21+$0xFFFFFFC0] =	vst v6;
	v6 =	vmul.f32 v0, v1;
	v1 =	vmul.f32 v4, v1  }
0x39: {  	[tilespmem:s21+$0x10] =	vst v7  }
0x3a: {  	v4 =	vmov s24;
	[tilespmem:s21+$0xFFFFFFE0] =	vst v5  }
0x3b: {  	v0 =	vld [tilespmem:s23+$0xFFFFFFF0];
	[tilespmem:s21+$0xFFFFFFF0] =	vst v6  }
0x3c: {  	v5 =	vld [tilespmem:s23+$0x30];
	[tilespmem:s21+$0x0] =	vst v1  }
0x3d: {  	v7 =	vld [tilespmem:s23+$0x10];
	[tilespmem:s21+$0x20] =	vst v2  }
0x3e: {  	v6 =	vld [tilespmem:s23+$0xFFFFFFC0];
	[tilespmem:s21+$0xFFFFFFD0] =	vst v3;
	s21 =	smov.u32 s23  }
0x3f: {  	v1 =	vld.idx.msk [tilespmem:v4+s16+$0x0], $0xffff  }
0x40: {  	v9 =	vld [tilespmem:s23+$0xFFFFFFE0]  }
0x41: {  	v2 =	vld [tilespmem:s23+$0x20]  }
.Ltmp0:
0x42: {  	v3 =	vld [tilespmem:s23+$0xFFFFFFD0];
	(pc) =	sbr.rel @p0 .LBB2_3-.Ltmp0, $3  }
0x43: {  	v4 =	vld [tilespmem:s23+$0x0];
	_ =	sdelay $0x1  }
0x44: {  	v6 =	vmul.f32 v6, v1;
	v8 =	vmul.f32 v5, v1  }
0x45: {  	v7 =	vmul.f32 v7, v1;
	v5 =	vmul.f32 v9, v1  }
0x46: {  	[tilespmem:s21+$0x30] =	vst v8  }
0x47: {  	[tilespmem:s21+$0xFFFFFFC0] =	vst v6  }
0x48: {  	v0 =	vmul.f32 v0, v1;
	[tilespmem:s21+$0x10] =	vst v7  }
0x49: {  	v2 =	vmul.f32 v2, v1;
	[tilespmem:s21+$0xFFFFFFE0] =	vst v5  }
0x4a: {  	v63 =	vmul.f32 v3, v1;
	[tilespmem:s21+$0xFFFFFFF0] =	vst v0  }
0x4b: {  	s20 =	sadd.s32 $0x1, s20;
	v4 =	vmul.f32 v4, v1;
	[tilespmem:s21+$0x20] =	vst v2  }
0x4c: {  	p0 =	sne.s32 s20, $0x19;
	[tilespmem:s21+$0xFFFFFFD0] =	vst v63  }
.Ltmp1:
0x4d: {  	[tilespmem:s21+$0x0] =	vst v4;
	(pc) =	sbr.rel @p0 .LBB2_2-.Ltmp1, $4  }
0x4e: {  	[spmem:s4] =	stream.indirect.scatter.add.f32 [tilespmem:s18], [sflag:$0x2], $0x80, s15, s17, $0xb8;
	[tilespmem:$0x1A700] =	vst v63  }
0x4f: {  	_ =	swait.ge [sflag:s14], $0x6400  }
0x50: {  	[sflag:s14] =	ssyncset.done $0x0  }
0x51: {  	[sflag:s14] =	ssyncadd.s32 $0xFFFF9C00  }
0x52: {  	s6 =	sadd.s32 $0x1, s6  }
0x53: {  	p0 =	sne.s32 s6, s12  }
.Ltmp2:
0x54: {  	[bflag:$0x0] =	sbarrier.arrive $0xFFFF;
	(pc) =	sbr.rel @p0 .LBB2_1-.Ltmp2, $4  }
0x55: {  	[hbm:s11], [sflag:s9] =	dma.local [spmem:s13], $0x2800  }
0x56: {  	_ =	swait.ge [sflag:s14], $0x2800  }
0x57: {  	[sflag:s14] =	ssyncset.done $0x0  }
0x58: {  	[sflag:s14] =	ssyncadd.s32 $0xFFFFD800  }
0x59: {  	_ =	sfence.sel $0x180000  }
0x5a: {  	[bflag:$0x0] =	sbarrier.arrive $0xFFFF  }
0x5b: {  	p0 =	sne.s32 s5, $0x0;
	_ =	strace $0x90000047  }
0x5c: {  	s0 =	sadd.s32 @!p0 $0x100000, s0;
	[bflag:$0x2] =	sbarrier.arrive $0xFFFF  }
0x5d: {  	[sflag:s0] =	ssyncadd.tile.s32 @!p0 $0x1;
	_ =	shalt  }
.Lfunc_end2:
_tile_overlayer_lowered:
.L_overlay_start_2:
0x5e: {  	(tag) =	ssettag $0x2  }
0x5f: {  	s0 =	rddreg [dreg:$0x0];
	s2 =	stileid.u32  }
0x60: {  	s1 =	rddreg [dreg:$0x1];
	p0 =	sne.s32 s2, $0x0  }
0x61: {  	s3 =	rddreg [dreg:$0x2];
	[bflag:$0x3] =	sbarrier.arrive $0xFFFF;
	s2 =	simm.s32 @!p0 $0x1C02  }
0x62: {  	[timem:s3], [sflag:s2] =	dma.local @!p0 [hbm:s0], s1  }
0x63: {  	s0 =	simm.s32 @!p0 $0x2  }
0x64: {  	_ =	swait.ge @!p0 [sflag:s0], s1  }
0x65: {  	s1 =	ssub.s32 @!p0 $0x0, s1;
	[sflag:s0] =	ssyncset.done @!p0 $0x0  }
0x66: {  	[sflag:s0] =	ssyncadd.s32 @!p0 s1  }
0x67: {  	[bflag:$0x3] =	sbarrier.arrive $0xFFFF  }
0x68: {  	_ =	shalt  }

// kernel: kernel.13.cloned.1.call-start
scs
__scs_entry_jumppad:
0x0: {  	(pc) =	sbr.rel $0x88, $3  }
0x1: {  	(tag) =	ssettag $0x0;
	lr =	simm.s32 $0x1  }
0x2: {  	[smem:$0x3F99] =	sst lr;
	_ =	strace $0xD0000000  }
0x3: {  	_ = 	snop  }
0x4: {  	_ = 	snop  }
0x5: {  	_ = 	snop  }
0x6: {  	_ = 	snop  }
0x7: {  	_ = 	snop  }
__scs_overlays_trampoline_lowered:
0x8: {  	[smem:$0x3FA8] =	sst s0  }
0x9: {  	[smem:$0x3FA9] =	sst s1  }
0xa: {  	[smem:$0x3FAA] =	sst s2  }
0xb: {  	[smem:$0x3FAB] =	sst s3  }
0xc: {  	[smem:$0x3FAC] =	sst s4  }
0xd: {  	[smem:$0x3FAD] =	sst s5  }
0xe: {  	[smem:$0x3FAE] =	sst s6  }
0xf: {  	[smem:$0x3FAF] =	sst s7  }
0x10: {  	[smem:$0x3FB0] =	sst s8  }
0x11: {  	[smem:$0x3FB1] =	sst s9;
	s0 =	simm.s32 @!p0 $0x0  }
0x12: {  	s1 =	sld [smem:$0x3F97];
	s0 =	simm.s32 @p0 $0x1  }
0x13: {  	[smem:$0x3FB2] =	sst s0;
	s0 =	simm.s32 @!p1 $0x0  }
0x14: {  	s2 =	sld [smem:$0x3F96];
	s0 =	simm.s32 @p1 $0x1  }
0x15: {  	[smem:$0x3FB3] =	sst s0;
	s0 =	simm.s32 @!p2 $0x0  }
0x16: {  	s3 =	sld [smem:$0x3FDB];
	s0 =	simm.s32 @p2 $0x1  }
0x17: {  	s4 =	simm.s32 $0x1BF5;
	[smem:$0x3FB5] =	sst s0  }
0x18: {  	s0 =	sld [smem:$0x3F98];
	_ =	swait.ge [sflag:s4], $0x0  }
0x19: {  	s7 =	sld [smem:$0x3F99]  }
0x1a: {  	s8 =	sadd.s32 $0xFFFFE003, lr  }
0x1b: {  	s9 =	sadd.s32 $0xFFFFFEF7, lr;
	s5 =	simm.s32 $0xFFFFFFFF;
	p2 =	slt.u32 s8, $0xFFFFF086  }
0x1c: {  	p1 =	slt.u32 s9, $0xF7A;
	s5 =	simm.s32 @!p2 $0x0  }
0x1d: {  	s5 =	simm.s32 @p1 $0x1;
	p0 =	seq.s32 s7, s2  }
0x1e: {  	s7 =	smul.u32 @!p0 $0xF7A, s2;
	p2 =	seq.s32 @!p0 s5, $0x0  }
0x1f: {  	s9 =	smul.u32 $0xF7A, s1;
	s8 =	simm.s32 @!p0 $0x1BF5;
	p2 =	por !p2, p0  }
0x20: {  	[sflag:s8] =	ssyncset.s32 @!p0 $0xFFFFF086;
	s6 =	sadd.s32 @!p0 s3, s7;
	s7 =	simm.s32 @!p0 $0x108  }
0x21: {  	s3 =	sadd.s32 s3, s9;
	s6 =	sadd.s32 @!p0 $0x88, s6;
	s7 =	simm.s32 @p2 $0x1082  }
0x22: {  	[simem:s7], [sflag:s8] =	dma.local @!p0 [hbm:s6], $0xF7A  }
0x23: {  	s9 =	sor.u32 $0xD0000000, s2;
	s6 =	simm.s32 $0x108;
	_ =	swait.ge @!p0 [sflag:s8], $0x0  }
0x24: {  	s3 =	sadd.s32 $0x88, s3;
	s6 =	simm.s32 @!p1 $0x1082;
	[sflag:s4] =	ssyncset.s32 $0xFFFFF086  }
0x25: {  	[simem:s6], [sflag:s4] =	dma.local [hbm:s3], $0xF7A  }
0x26: {  	[smem:$0x3F99] =	sst s1;
	(tag) =	ssettag s2;
	_ =	strace s9  }
0x27: {  	s1 =	sld [smem:$0x3FA9]  }
0x28: {  	s2 =	sld [smem:$0x3FAA]  }
0x29: {  	s4 =	sld [smem:$0x3FAC]  }
0x2a: {  	p0 =	seq.s32 s5, $0x0;
	s5 =	sld [smem:$0x3FAD]  }
0x2b: {  	s6 =	sld [smem:$0x3FAE]  }
0x2c: {  	s7 =	sld [smem:$0x3FAF]  }
0x2d: {  	s3 =	simm.s32 $0x108;
	s8 =	sld [smem:$0x3FB0]  }
0x2e: {  	s3 =	simm.s32 @!p0 $0x1082;
	s9 =	sld [smem:$0x3FB1]  }
0x2f: {  	lr =	sadd.s32 s0, s3;
	s0 =	sld [smem:$0x3FA8]  }
0x30: {  	s3 =	sld [smem:$0x3FAB]  }
0x31: {  	[smem:$0x3FB4] =	sst s10  }
0x32: {  	s10 =	sld [smem:$0x3FB2];
	_ =	sdelay $0x3  }
0x33: {  	p0 =	seq.s32 s10, $0x1;
	s10 =	sld [smem:$0x3FB4];
	_ =	sdelay $0x3  }
0x34: {  	[smem:$0x3FB4] =	sst s10  }
0x35: {  	s10 =	sld [smem:$0x3FB3];
	_ =	sdelay $0x3  }
0x36: {  	p1 =	seq.s32 s10, $0x1;
	s10 =	sld [smem:$0x3FB4];
	_ =	sdelay $0x3  }
0x37: {  	[smem:$0x3FB4] =	sst s10  }
0x38: {  	s10 =	sld [smem:$0x3FB5]  }
0x39: {  	_ = 	snop;
	(pc) =	sbr.ind lr, $3  }
0x3a: {  	_ = 	snop  }
0x3b: {  	_ = 	snop  }
0x3c: {  	p2 =	seq.s32 s10, $0x1;
	s10 =	sld [smem:$0x3FB4]  }
0x3d: {  	_ =	shalt  }
0x3e: {  	_ =	shalt  }
0x3f: {  	_ =	shalt  }
0x40: {  	_ =	shalt  }
0x41: {  	_ =	shalt  }
0x42: {  	_ =	shalt  }
0x43: {  	_ =	shalt  }
0x44: {  	_ =	shalt  }
0x45: {  	_ =	shalt  }
0x46: {  	_ =	shalt  }
0x47: {  	_ =	shalt  }
0x48: {  	_ =	shalt  }
0x49: {  	_ =	shalt  }
0x4a: {  	_ =	shalt  }
0x4b: {  	_ =	shalt  }
0x4c: {  	_ =	shalt  }
0x4d: {  	_ =	shalt  }
0x4e: {  	_ =	shalt  }
0x4f: {  	_ =	shalt  }
0x50: {  	_ =	shalt  }
0x51: {  	_ =	shalt  }
0x52: {  	_ =	shalt  }
0x53: {  	_ =	shalt  }
0x54: {  	_ =	shalt  }
0x55: {  	_ =	shalt  }
0x56: {  	_ =	shalt  }
0x57: {  	_ =	shalt  }
0x58: {  	_ =	shalt  }
0x59: {  	_ =	shalt  }
0x5a: {  	_ =	shalt  }
0x5b: {  	_ =	shalt  }
0x5c: {  	_ =	shalt  }
0x5d: {  	_ =	shalt  }
0x5e: {  	_ =	shalt  }
0x5f: {  	_ =	shalt  }
0x60: {  	_ =	shalt  }
0x61: {  	_ =	shalt  }
0x62: {  	_ =	shalt  }
0x63: {  	_ =	shalt  }
0x64: {  	_ =	shalt  }
0x65: {  	_ =	shalt  }
0x66: {  	_ =	shalt  }
0x67: {  	_ =	shalt  }
0x68: {  	_ =	shalt  }
0x69: {  	_ =	shalt  }
0x6a: {  	_ =	shalt  }
0x6b: {  	_ =	shalt  }
0x6c: {  	_ =	shalt  }
0x6d: {  	_ =	shalt  }
0x6e: {  	_ =	shalt  }
0x6f: {  	_ =	shalt  }
0x70: {  	_ =	shalt  }
0x71: {  	_ =	shalt  }
0x72: {  	_ =	shalt  }
0x73: {  	_ =	shalt  }
0x74: {  	_ =	shalt  }
0x75: {  	_ =	shalt  }
0x76: {  	_ =	shalt  }
0x77: {  	_ =	shalt  }
0x78: {  	_ =	shalt  }
0x79: {  	_ =	shalt  }
0x7a: {  	_ =	shalt  }
0x7b: {  	_ =	shalt  }
0x7c: {  	_ =	shalt  }
0x7d: {  	_ =	shalt  }
0x7e: {  	_ =	shalt  }
0x7f: {  	_ =	shalt  }
0x80: {  	_ =	shalt  }
0x81: {  	_ =	shalt  }
0x82: {  	_ =	shalt  }
0x83: {  	_ =	shalt  }
0x84: {  	_ =	shalt  }
0x85: {  	_ =	shalt  }
0x86: {  	_ =	shalt  }
0x87: {  	_ =	shalt  }
.Lfunc_end0:
.L_simem_size_0:
called_computation.1_lowered:
.L_overlay_start_0:
0x88: {  	s2 =	sld [smem:$0x3FD9]  }
0x89: {  	s3 =	sld [smem:$0x3FFE];
	_ =	sdelay $0x1  }
0x8a: {  	s1 =	srdreg.scid  }
0x8b: {  	s0 =	sand.u32 $0x1, s1  }
0x8c: {  	s17 =	sshll.u32 s0, $0xA;
	s2 =	sadd.s32 s3, s2  }
0x8d: {  	s2 =	sadd.s32 s2, s17  }
0x8e: {  	[smem:$0x3FC0] =	sst s2  }
0x8f: {  	_ = 	snop  }
0x90: {  	(tm) =	ssettm $0x1  }
0x91: {  	s18 =	sld [smem:$0x3FFB];
	_ =	sdelay $0x3  }
0x92: {  	_ =	strace s18  }
0x93: {  	s2 =	sld [smem:$0x3FFC];
	_ =	sdelay $0x3  }
0x94: {  	_ =	strace s2  }
0x95: {  	s2 =	sld [smem:$0x3FFD];
	_ =	sdelay $0x3  }
0x96: {  	_ =	strace s2  }
0x97: {  	_ =	strace $0x8FFFFFFF  }
0x98: {  	s19 =	sld [smem:$0x3FDB];
	_ =	sdelay $0x1  }
0x99: {  	s20 =	simm.s32 $_scs_section_size  }
0x9a: {  	s4 =	simm.s32 $_size__tile_overlayer_lowered;
	s5 =	simm.s32 $_tile_overlayer_lowered  }
0x9b: {  	s6 =	simm.s32 $0x1BFF;
	s21 =	sshll.u32 s5, $0x1;
	s3 =	sadd.s32 s20, s19  }
0x9c: {  	s22 =	simm.s32 $0x0;
	s4 =	sshll.u32 s4, $0x1;
	s5 =	sadd.s32 s21, s3  }
0x9d: {  	[timem:s22], [sflag:s6] =	dma.local [hbm:s5], s4  }
0x9e: {  	_ =	swait.ge [sflag:s6], s4  }
0x9f: {  	s4 =	ssub.s32 $0x0, s4;
	[sflag:s6] =	ssyncset.done $0x0  }
0xa0: {  	[sflag:s6] =	ssyncadd.s32 s4;
	_ =	sdelay $0x1  }
0xa1: {  	s23 =	simm.s32 $0x1B8B  }
0xa2: {  	_ =	swait.ge [sflag:s23], $0x1  }
0xa3: {  	[sflag:s23] =	ssyncset.done $0x0  }
0xa4: {  	[sflag:s23] =	ssyncadd.s32 $0xFFFFFFFF  }
0xa5: {  	s4 =	sld [smem:$0x0]  }
0xa6: {  	s5 =	sand.u32 $0xFFFFFFFE, s1  }
0xa7: {  	p0 =	sne.s32 s1, s5  }
0xa8: {  	s5 =	sshll.u32 @p0 s5, $0xE  }
0xa9: {  	s5 =	sadd.s32 @p0 $0x11B8D, s5;
	s6 =	sshll.u32 @p0 s4, $0x11  }
0xaa: {  	s5 =	sor.u32 @p0 s6, s5  }
0xab: {  	[sflag:s5] =	ssyncadd.remote.s32 @p0 $0x1;
	_ =	sdelay $0x1  }
0xac: {  	s5 =	simm.s32 @p0 $0x1B8D  }
0xad: {  	_ =	swait.eq @p0 [sflag:s5], $0x1  }
0xae: {  	[sflag:s5] =	ssyncadd.s32 @p0 $0xFFFFFFFF  }
0xaf: {  	s6 =	sshll.u32 @!p0 s1, $0xE  }
0xb0: {  	s6 =	sor.u32 @!p0 $0x4000, s6;
	s5 =	simm.s32 @!p0 $0x1B8D  }
0xb1: {  	s4 =	sshll.u32 @!p0 s4, $0x11;
	s6 =	sadd.s32 @!p0 $0x11B8D, s6;
	_ =	swait.eq @!p0 [sflag:s5], $0x1  }
0xb2: {  	s4 =	sor.u32 @!p0 s4, s6;
	[sflag:s5] =	ssyncadd.s32 @!p0 $0xFFFFFFFF  }
0xb3: {  	s25 =	simm.s32 $0x1B8E;
	s24 =	sld [smem:$0x3FFE];
	[sflag:s4] =	ssyncadd.remote.s32 @!p0 $0x1  }
0xb4: {  	s26 =	simm.s32 $execute0_lowered;
	[smem:$0x3FD2] =	sst s25  }
0xb5: {  	s5 =	sshll.u32 s26, $0x1;
	_ =	strace $0x80000049;
	[dreg:$0x1] =	wrdreg $0xFFFFFFFF  }
0xb6: {  	s28 =	simm.s32 $_size_execute0_lowered;
	s3 =	sadd.s32 s3, s5;
	[dreg:$0x0] =	wrdreg $0x0  }
0xb7: {  	s5 =	sshll.u32 s28, $0x1;
	[dreg:$0x2] =	wrdreg s3  }
0xb8: {  	[dreg:$0x3] =	wrdreg s5  }
0xb9: {  	[dreg:$0x4] =	wrdreg $0xC0  }
0xba: {  	_ =	task [dreg:s22], $0x5FFFF  }
0xbb: {  	[dreg:$0x1] =	wrdreg $0xFFFFFFFF  }
0xbc: {  	[dreg:$0x0] =	wrdreg $0x60  }
0xbd: {  	[dreg:$0x2] =	wrdreg s24  }
0xbe: {  	[dreg:$0x3] =	wrdreg $0xA  }
0xbf: {  	_ =	task.clear_ibuf [dreg:s22], $0x4FFFF;
	_ =	strace $0x90000049  }
0xc0: {  	s29 =	simm.s32 $0xA;
	_ =	strace $0x8000004B  }
0xc1: {  	_ =	swait.ge [sflag:s29], $0x1  }
0xc2: {  	[sflag:s29] =	ssyncadd.s32 $0xFFFFFFFF  }
0xc3: {  	_ =	strace $0x9000004B  }
0xc4: {  	_ =	sfence  }
0xc5: {  	s30 =	sld [smem:$0x0];
	_ =	sdelay $0x2  }
0xc6: {  	s31 =	sshll.u32 s1, $0xD;
	s1 =	sshrl.u32 s1, $0x2  }
0xc7: {  	s4 =	sand.u32 $0x4000, s31;
	s1 =	sadd.s32 s1, s30  }
0xc8: {  	s0 =	sor.u32 s4, s0;
	s1 =	sshll.u32 s1, $0x11  }
0xc9: {  	s0 =	sor.u32 s1, s0  }
0xca: {  	s0 =	sadd.s32 $0x8F2B, s0  }
0xcb: {  	[sflag:s0] =	ssyncadd.remote.s32 $0x1  }
0xcc: {  	_ =	sfence.sel $0xFFFF  }
0xcd: {  	[dreg:$0x0] =	wrdreg $0xFFFFFFFF;
	(pc) =	sbr.abs _section_cstart, $3  }
0xce: {  	[dreg:$0x1] =	wrdreg $0xFFFFFFFF  }
0xcf: {  	_ =	task.clear_ibuf [dreg:s22], $0x2FFFF;
	_ =	strace $0x9FFFFFFF  }
0xd0: {  	(tm) =	ssettm $0x7FFFFFFF  }
0xd1: {  	_ =	shalt  }
tec
execute0_lowered:
.L_overlay_start_1:
0x0: {  	(tag) =	ssettag $0x1  }
0x1: {  	s5 =	rddreg [dreg:$0x0]  }
0x2: {  	s0 =	rddreg [dreg:$0x1]  }
0x3: {  	s1 =	simm.s32 $0x0;
	s2 =	srdreg.scid;
	s11 =	simm.s32 $0xC8  }
0x4: {  	s12 =	simm.s32 $0x200;
	s13 =	simm.s32 $0x300;
	[smem:$0x7FF] =	sst s1  }
0x5: {  	s3 =	sadd.s32 $0x7C00, s5;
	s6 =	sand.u32 $0x1, s2;
	s4 =	sadd.s32 $0x2C00, s5  }
0x6: {  	s2 =	stileid.u32;
	s5 =	sadd.s32 $0xCC00, s5;
	_ =	strace $0x8000004A  }
0x7: {  	s7 =	ssub.s32 $0x2, s6;
	s9 =	sshll.u32 s2, $0x1;
	s10 =	smul.u32 $0x2710, s2  }
0x8: {  	s31 =	smul.u32 $0x1388, s6;
	s8 =	sshrl.u32 s7, $0x1;
	s30 =	sor.u32 s6, s9  }
0x9: {  	s9 =	simm.s32 $0x1;
	s7 =	ssub.s32 s7, s8;
	s6 =	smul.u32 $0x1388, s30  }
0xa: {  	v0 =	vlaneseq.u32;
	s8 =	sadd.s32 s31, s10;
	s10 =	simm.s32 $0x100;
	s7 =	smax.u32 s7, $0x1  }
.LBB2_1:
0xb: {  	s14 =	smov.u32 s8;
	s15 =	simm.s32 $0x0  }
.LBB2_2:
0xc: {  	s16 =	smul.u32 $0xC8, s15;
	_ =	sdelay $0x1  }
0xd: {  	s16 =	sadd.s32 s6, s16  }
0xe: {  	s17 =	sshrl.u32 s16, $0x3  }
0xf: {  	s19 =	simm.s32 $0x0;
	s18 =	sadd.s32 s3, s17  }
0x10: {  	[tilespmem:s19], [sflag:$0x1] =	stream.linear.gather [hbm4b:s18+s19], $0xC8, $0x38;
	[tilespmem:$0x400] =	vst v63  }
0x11: {  	_ =	swait.ge [sflag:s9], $0xC8  }
0x12: {  	[sflag:s9] =	ssyncset.done $0x0  }
0x13: {  	s17 =	sadd.s32 s4, s17;
	[sflag:s9] =	ssyncadd.s32 $0xFFFFFF38  }
0x14: {  	[tilespmem:s10], [sflag:$0x1] =	stream.linear.gather [hbm4b:s17+s19], $0xC8, $0x38;
	[tilespmem:$0x400] =	vst v63  }
0x15: {  	_ =	swait.ge [sflag:s9], $0xC8  }
0x16: {  	[sflag:s9] =	ssyncset.done $0x0  }
0x17: {  	[sflag:s9] =	ssyncadd.s32 $0xFFFFFF38  }
0x18: {  	v1 =	vld [tilespmem:$0x0]  }
0x19: {  	v2 =	vld [tilespmem:$0x100]  }
0x1a: {  	v3 =	vld [tilespmem:$0x10]  }
0x1b: {  	v4 =	vld [tilespmem:$0x110]  }
0x1c: {  	v5 =	vld [tilespmem:$0x20]  }
0x1d: {  	v6 =	vld [tilespmem:$0x120]  }
0x1e: {  	v7 =	vld [tilespmem:$0x30]  }
0x1f: {  	v8 =	vld [tilespmem:$0x130]  }
0x20: {  	v9 =	vld [tilespmem:$0x40]  }
0x21: {  	v10 =	vld [tilespmem:$0x140]  }
0x22: {  	v11 =	vld [tilespmem:$0x50]  }
0x23: {  	v12 =	vld [tilespmem:$0x150]  }
0x24: {  	v13 =	vld [tilespmem:$0x60]  }
0x25: {  	v14 =	vld [tilespmem:$0x160]  }
0x26: {  	v15 =	vld [tilespmem:$0x70]  }
0x27: {  	v16 =	vld [tilespmem:$0x170]  }
0x28: {  	v17 =	vld [tilespmem:$0x80];
	v1 =	vmul.u32 $0x2710, v1  }
0x29: {  	v18 =	vld [tilespmem:$0x180];
	v3 =	vmul.u32 $0x2710, v3  }
0x2a: {  	v56 =	vld [tilespmem:$0x90];
	v1 =	vadd.s32 v2, v1;
	v2 =	vmul.u32 $0x2710, v5  }
0x2b: {  	v57 =	vld [tilespmem:$0x190];
	[tilespmem:$0x200] =	vst v1;
	v1 =	vadd.s32 v4, v3;
	v3 =	vmul.u32 $0x2710, v7  }
0x2c: {  	v58 =	vld [tilespmem:$0xA0];
	[tilespmem:$0x210] =	vst v1;
	v1 =	vadd.s32 v6, v2;
	v2 =	vmul.u32 $0x2710, v9  }
0x2d: {  	v59 =	vld [tilespmem:$0x1A0];
	[tilespmem:$0x220] =	vst v1;
	v1 =	vadd.s32 v8, v3;
	v3 =	vmul.u32 $0x2710, v11  }
0x2e: {  	v60 =	vld [tilespmem:$0xB0];
	[tilespmem:$0x230] =	vst v1;
	v1 =	vadd.s32 v10, v2;
	v2 =	vmul.u32 $0x2710, v13  }
0x2f: {  	v61 =	vld [tilespmem:$0xB8];
	[tilespmem:$0x240] =	vst v1;
	v1 =	vadd.s32 v12, v3;
	v3 =	vmul.u32 $0x2710, v15  }
0x30: {  	v62 =	vld [tilespmem:$0x1B0];
	[tilespmem:$0x250] =	vst v1;
	v1 =	vadd.s32 v14, v2;
	v2 =	vmul.u32 $0x2710, v17  }
0x31: {  	v63 =	vld [tilespmem:$0x1B8];
	[tilespmem:$0x260] =	vst v1;
	v1 =	vadd.s32 v16, v3;
	v3 =	vmul.u32 $0x2710, v56  }
0x32: {  	[tilespmem:$0x270] =	vst v1;
	v1 =	vadd.s32 v18, v2;
	v2 =	vmul.u32 $0x2710, v58  }
0x33: {  	[tilespmem:$0x280] =	vst v1;
	v1 =	vadd.s32 v57, v3;
	v3 =	vmul.u32 $0x2710, v60  }
0x34: {  	[tilespmem:$0x290] =	vst v1;
	v1 =	vadd.s32 v59, v2;
	v2 =	vmul.u32 $0x2710, v61  }
0x35: {  	[tilespmem:$0x2A0] =	vst v1;
	v1 =	vadd.s32 v62, v3  }
0x36: {  	[tilespmem:$0x2B0] =	vst v1;
	v1 =	vadd.s32 v63, v2;
	v2 =	vadd.s32 s14, v0  }
0x37: {  	s18 =	smov.u32 s14;
	s17 =	simm.s32 $0x40;
	s19 =	simm.s32 $0x0;
	[tilespmem:$0x2B8] =	vst v1;
	v1 =	vcvt.s32.f32 v2  }
.LBB2_3:
0x38: {  	p0 =	sne.s32 s17, $0x2C0  }
0x39: {  	[tilespmem:s19+$0x300] =	vst v1;
	s18 =	sadd.s32 $0x10, s18;
	s19 =	smov.u32 s17;
	s17 =	sadd.s32 $0x40, s17  }
.Ltmp0:
0x3a: {  	(pc) =	sbr.rel @p0 .LBB2_3-.Ltmp0, $4  }
0x3b: {  	_ = 	snop  }
0x3c: {  	v1 =	vadd.s32 s18, v0  }
0x3d: {  	v1 =	vcvt.s32.f32 v1  }
0x3e: {  	s19 =	sshra.s32 s19, $0x2  }
0x3f: {  	s16 =	sadd.s32 $0xB8, s16  }
0x40: {  	v2 =	vadd.s32 s16, v0  }
0x41: {  	s15 =	sadd.s32 $0x1, s15;
	v2 =	vcvt.s32.f32 v2  }
0x42: {  	[tilespmem:s19+$0x300] =	vst v1;
	p0 =	sne.s32 s15, $0x19  }
.Ltmp1:
0x43: {  	[tilespmem:$0x3B8] =	vst v2;
	(pc) =	sbr.rel @p0 .LBB2_2-.Ltmp1, $4  }
0x44: {  	[hbm4b:s5+s11] =	stream.indirect.scatter [tilespmem:s13], [sflag:$0x1], $0x1, s12, s11, $0xb8;
	[tilespmem:$0x400] =	vst v63  }
0x45: {  	_ =	swait.ge [sflag:s9], $0xC8  }
0x46: {  	[sflag:s9] =	ssyncset.done $0x0  }
0x47: {  	s14 =	sadd.s32 $0xC8, s14;
	[sflag:s9] =	ssyncadd.s32 $0xFFFFFF38  }
0x48: {  	s1 =	sadd.s32 $0x1, s1  }
0x49: {  	p0 =	sne.s32 s1, s7  }
.Ltmp2:
0x4a: {  	_ = 	snop;
	(pc) =	sbr.rel @p0 .LBB2_1-.Ltmp2, $1  }
0x4b: {  	_ =	sdelay $0x3  }
0x4c: {  	_ =	sfence.sel $0x180000  }
0x4d: {  	[bflag:$0x0] =	sbarrier.arrive $0xFFFF  }
0x4e: {  	p0 =	sne.s32 s2, $0x0;
	_ =	strace $0x9000004A  }
0x4f: {  	s0 =	sadd.s32 @!p0 $0x100000, s0;
	[bflag:$0x2] =	sbarrier.arrive $0xFFFF  }
0x50: {  	[sflag:s0] =	ssyncadd.tile.s32 @!p0 $0x1;
	_ =	shalt  }
.Lfunc_end2:
_tile_overlayer_lowered:
.L_overlay_start_2:
0x51: {  	(tag) =	ssettag $0x2  }
0x52: {  	s0 =	rddreg [dreg:$0x0];
	s2 =	stileid.u32  }
0x53: {  	s1 =	rddreg [dreg:$0x1];
	p0 =	sne.s32 s2, $0x0  }
0x54: {  	s3 =	rddreg [dreg:$0x2];
	[bflag:$0x3] =	sbarrier.arrive $0xFFFF;
	s2 =	simm.s32 @!p0 $0x1C01  }
0x55: {  	[timem:s3], [sflag:s2] =	dma.local @!p0 [hbm:s0], s1  }
0x56: {  	s0 =	simm.s32 @!p0 $0x1  }
0x57: {  	_ =	swait.ge @!p0 [sflag:s0], s1  }
0x58: {  	s1 =	ssub.s32 @!p0 $0x0, s1;
	[sflag:s0] =	ssyncset.done @!p0 $0x0  }
0x59: {  	[sflag:s0] =	ssyncadd.s32 @!p0 s1  }
0x5a: {  	[bflag:$0x3] =	sbarrier.arrive $0xFFFF  }
0x5b: {  	_ =	shalt  }

// kernel: kernel.16.cloned.1.call-start
scs
__scs_entry_jumppad:
0x0: {  	(pc) =	sbr.rel $0x88, $3  }
0x1: {  	(tag) =	ssettag $0x0;
	lr =	simm.s32 $0x1  }
0x2: {  	[smem:$0x3F99] =	sst lr;
	_ =	strace $0xD0000000  }
0x3: {  	_ = 	snop  }
0x4: {  	_ = 	snop  }
0x5: {  	_ = 	snop  }
0x6: {  	_ = 	snop  }
0x7: {  	_ = 	snop  }
__scs_overlays_trampoline_lowered:
0x8: {  	[smem:$0x3FA8] =	sst s0  }
0x9: {  	[smem:$0x3FA9] =	sst s1  }
0xa: {  	[smem:$0x3FAA] =	sst s2  }
0xb: {  	[smem:$0x3FAB] =	sst s3  }
0xc: {  	[smem:$0x3FAC] =	sst s4  }
0xd: {  	[smem:$0x3FAD] =	sst s5  }
0xe: {  	[smem:$0x3FAE] =	sst s6  }
0xf: {  	[smem:$0x3FAF] =	sst s7  }
0x10: {  	[smem:$0x3FB0] =	sst s8  }
0x11: {  	[smem:$0x3FB1] =	sst s9;
	s0 =	simm.s32 @!p0 $0x0  }
0x12: {  	s1 =	sld [smem:$0x3F97];
	s0 =	simm.s32 @p0 $0x1  }
0x13: {  	[smem:$0x3FB2] =	sst s0;
	s0 =	simm.s32 @!p1 $0x0  }
0x14: {  	s2 =	sld [smem:$0x3F96];
	s0 =	simm.s32 @p1 $0x1  }
0x15: {  	[smem:$0x3FB3] =	sst s0;
	s0 =	simm.s32 @!p2 $0x0  }
0x16: {  	s3 =	sld [smem:$0x3FDB];
	s0 =	simm.s32 @p2 $0x1  }
0x17: {  	s4 =	simm.s32 $0x1BF5;
	[smem:$0x3FB5] =	sst s0  }
0x18: {  	s0 =	sld [smem:$0x3F98];
	_ =	swait.ge [sflag:s4], $0x0  }
0x19: {  	s7 =	sld [smem:$0x3F99]  }
0x1a: {  	s8 =	sadd.s32 $0xFFFFE003, lr  }
0x1b: {  	s9 =	sadd.s32 $0xFFFFFEF7, lr;
	s5 =	simm.s32 $0xFFFFFFFF;
	p2 =	slt.u32 s8, $0xFFFFF086  }
0x1c: {  	p1 =	slt.u32 s9, $0xF7A;
	s5 =	simm.s32 @!p2 $0x0  }
0x1d: {  	s5 =	simm.s32 @p1 $0x1;
	p0 =	seq.s32 s7, s2  }
0x1e: {  	s7 =	smul.u32 @!p0 $0xF7A, s2;
	p2 =	seq.s32 @!p0 s5, $0x0  }
0x1f: {  	s9 =	smul.u32 $0xF7A, s1;
	s8 =	simm.s32 @!p0 $0x1BF5;
	p2 =	por !p2, p0  }
0x20: {  	[sflag:s8] =	ssyncset.s32 @!p0 $0xFFFFF086;
	s6 =	sadd.s32 @!p0 s3, s7;
	s7 =	simm.s32 @!p0 $0x108  }
0x21: {  	s3 =	sadd.s32 s3, s9;
	s6 =	sadd.s32 @!p0 $0x88, s6;
	s7 =	simm.s32 @p2 $0x1082  }
0x22: {  	[simem:s7], [sflag:s8] =	dma.local @!p0 [hbm:s6], $0xF7A  }
0x23: {  	s9 =	sor.u32 $0xD0000000, s2;
	s6 =	simm.s32 $0x108;
	_ =	swait.ge @!p0 [sflag:s8], $0x0  }
0x24: {  	s3 =	sadd.s32 $0x88, s3;
	s6 =	simm.s32 @!p1 $0x1082;
	[sflag:s4] =	ssyncset.s32 $0xFFFFF086  }
0x25: {  	[simem:s6], [sflag:s4] =	dma.local [hbm:s3], $0xF7A  }
0x26: {  	[smem:$0x3F99] =	sst s1;
	(tag) =	ssettag s2;
	_ =	strace s9  }
0x27: {  	s1 =	sld [smem:$0x3FA9]  }
0x28: {  	s2 =	sld [smem:$0x3FAA]  }
0x29: {  	s4 =	sld [smem:$0x3FAC]  }
0x2a: {  	p0 =	seq.s32 s5, $0x0;
	s5 =	sld [smem:$0x3FAD]  }
0x2b: {  	s6 =	sld [smem:$0x3FAE]  }
0x2c: {  	s7 =	sld [smem:$0x3FAF]  }
0x2d: {  	s3 =	simm.s32 $0x108;
	s8 =	sld [smem:$0x3FB0]  }
0x2e: {  	s3 =	simm.s32 @!p0 $0x1082;
	s9 =	sld [smem:$0x3FB1]  }
0x2f: {  	lr =	sadd.s32 s0, s3;
	s0 =	sld [smem:$0x3FA8]  }
0x30: {  	s3 =	sld [smem:$0x3FAB]  }
0x31: {  	[smem:$0x3FB4] =	sst s10  }
0x32: {  	s10 =	sld [smem:$0x3FB2];
	_ =	sdelay $0x3  }
0x33: {  	p0 =	seq.s32 s10, $0x1;
	s10 =	sld [smem:$0x3FB4];
	_ =	sdelay $0x3  }
0x34: {  	[smem:$0x3FB4] =	sst s10  }
0x35: {  	s10 =	sld [smem:$0x3FB3];
	_ =	sdelay $0x3  }
0x36: {  	p1 =	seq.s32 s10, $0x1;
	s10 =	sld [smem:$0x3FB4];
	_ =	sdelay $0x3  }
0x37: {  	[smem:$0x3FB4] =	sst s10  }
0x38: {  	s10 =	sld [smem:$0x3FB5]  }
0x39: {  	_ = 	snop;
	(pc) =	sbr.ind lr, $3  }
0x3a: {  	_ = 	snop  }
0x3b: {  	_ = 	snop  }
0x3c: {  	p2 =	seq.s32 s10, $0x1;
	s10 =	sld [smem:$0x3FB4]  }
0x3d: {  	_ =	shalt  }
0x3e: {  	_ =	shalt  }
0x3f: {  	_ =	shalt  }
0x40: {  	_ =	shalt  }
0x41: {  	_ =	shalt  }
0x42: {  	_ =	shalt  }
0x43: {  	_ =	shalt  }
0x44: {  	_ =	shalt  }
0x45: {  	_ =	shalt  }
0x46: {  	_ =	shalt  }
0x47: {  	_ =	shalt  }
0x48: {  	_ =	shalt  }
0x49: {  	_ =	shalt  }
0x4a: {  	_ =	shalt  }
0x4b: {  	_ =	shalt  }
0x4c: {  	_ =	shalt  }
0x4d: {  	_ =	shalt  }
0x4e: {  	_ =	shalt  }
0x4f: {  	_ =	shalt  }
0x50: {  	_ =	shalt  }
0x51: {  	_ =	shalt  }
0x52: {  	_ =	shalt  }
0x53: {  	_ =	shalt  }
0x54: {  	_ =	shalt  }
0x55: {  	_ =	shalt  }
0x56: {  	_ =	shalt  }
0x57: {  	_ =	shalt  }
0x58: {  	_ =	shalt  }
0x59: {  	_ =	shalt  }
0x5a: {  	_ =	shalt  }
0x5b: {  	_ =	shalt  }
0x5c: {  	_ =	shalt  }
0x5d: {  	_ =	shalt  }
0x5e: {  	_ =	shalt  }
0x5f: {  	_ =	shalt  }
0x60: {  	_ =	shalt  }
0x61: {  	_ =	shalt  }
0x62: {  	_ =	shalt  }
0x63: {  	_ =	shalt  }
0x64: {  	_ =	shalt  }
0x65: {  	_ =	shalt  }
0x66: {  	_ =	shalt  }
0x67: {  	_ =	shalt  }
0x68: {  	_ =	shalt  }
0x69: {  	_ =	shalt  }
0x6a: {  	_ =	shalt  }
0x6b: {  	_ =	shalt  }
0x6c: {  	_ =	shalt  }
0x6d: {  	_ =	shalt  }
0x6e: {  	_ =	shalt  }
0x6f: {  	_ =	shalt  }
0x70: {  	_ =	shalt  }
0x71: {  	_ =	shalt  }
0x72: {  	_ =	shalt  }
0x73: {  	_ =	shalt  }
0x74: {  	_ =	shalt  }
0x75: {  	_ =	shalt  }
0x76: {  	_ =	shalt  }
0x77: {  	_ =	shalt  }
0x78: {  	_ =	shalt  }
0x79: {  	_ =	shalt  }
0x7a: {  	_ =	shalt  }
0x7b: {  	_ =	shalt  }
0x7c: {  	_ =	shalt  }
0x7d: {  	_ =	shalt  }
0x7e: {  	_ =	shalt  }
0x7f: {  	_ =	shalt  }
0x80: {  	_ =	shalt  }
0x81: {  	_ =	shalt  }
0x82: {  	_ =	shalt  }
0x83: {  	_ =	shalt  }
0x84: {  	_ =	shalt  }
0x85: {  	_ =	shalt  }
0x86: {  	_ =	shalt  }
0x87: {  	_ =	shalt  }
.Lfunc_end0:
.L_simem_size_0:
called_computation.2_lowered:
.L_overlay_start_0:
0x88: {  	s2 =	sld [smem:$0x3FD9]  }
0x89: {  	s3 =	sld [smem:$0x3FFE];
	_ =	sdelay $0x1  }
0x8a: {  	s1 =	srdreg.scid  }
0x8b: {  	s0 =	sand.u32 $0x1, s1  }
0x8c: {  	s16 =	sshll.u32 s0, $0xA;
	s2 =	sadd.s32 s3, s2  }
0x8d: {  	s2 =	sadd.s32 s2, s16  }
0x8e: {  	[smem:$0x3FC0] =	sst s2  }
0x8f: {  	_ = 	snop  }
0x90: {  	(tm) =	ssettm $0x1  }
0x91: {  	s17 =	sld [smem:$0x3FFB];
	_ =	sdelay $0x3  }
0x92: {  	_ =	strace s17  }
0x93: {  	s2 =	sld [smem:$0x3FFC];
	_ =	sdelay $0x3  }
0x94: {  	_ =	strace s2  }
0x95: {  	s2 =	sld [smem:$0x3FFD];
	_ =	sdelay $0x3  }
0x96: {  	_ =	strace s2  }
0x97: {  	_ =	strace $0x8FFFFFFF  }
0x98: {  	s18 =	sld [smem:$0x3FDB];
	_ =	sdelay $0x1  }
0x99: {  	s19 =	simm.s32 $_scs_section_size  }
0x9a: {  	s4 =	simm.s32 $_size__tile_overlayer_lowered;
	s5 =	simm.s32 $_tile_overlayer_lowered  }
0x9b: {  	s22 =	simm.s32 $0x1BFF;
	s21 =	sshll.u32 s5, $0x1;
	s2 =	sadd.s32 s19, s18  }
0x9c: {  	s6 =	simm.s32 $0x0;
	s20 =	sshll.u32 s4, $0x1;
	s4 =	sadd.s32 s21, s2  }
0x9d: {  	[timem:s6], [sflag:s22] =	dma.local [hbm:s4], s20  }
0x9e: {  	_ =	swait.ge [sflag:s22], s20  }
0x9f: {  	s3 =	ssub.s32 $0x0, s20;
	[sflag:s22] =	ssyncset.done $0x0  }
0xa0: {  	[sflag:s22] =	ssyncadd.s32 s3;
	_ =	sdelay $0x1  }
0xa1: {  	s23 =	simm.s32 $0x1B8B  }
0xa2: {  	_ =	swait.ge [sflag:s23], $0x1  }
0xa3: {  	[sflag:s23] =	ssyncset.done $0x0  }
0xa4: {  	s25 =	simm.s32 $0x1B8E;
	s24 =	sld [smem:$0x3FFE];
	[sflag:s23] =	ssyncadd.s32 $0xFFFFFFFF  }
0xa5: {  	s26 =	simm.s32 $execute0_lowered;
	[smem:$0x3FD2] =	sst s25  }
0xa6: {  	s4 =	sshll.u32 s26, $0x1;
	_ =	strace $0x8000004C;
	[dreg:$0x1] =	wrdreg $0xFFFFFFFF  }
0xa7: {  	s28 =	simm.s32 $_size_execute0_lowered;
	s2 =	sadd.s32 s2, s4;
	[dreg:$0x0] =	wrdreg $0x0  }
0xa8: {  	s4 =	sshll.u32 s28, $0x1;
	[dreg:$0x2] =	wrdreg s2  }
0xa9: {  	[dreg:$0x3] =	wrdreg s4  }
0xaa: {  	[dreg:$0x4] =	wrdreg $0xC0  }
0xab: {  	_ =	task [dreg:s6], $0x5FFFF  }
0xac: {  	[dreg:$0x1] =	wrdreg $0xFFFFFFFF  }
0xad: {  	[dreg:$0x0] =	wrdreg $0x60  }
0xae: {  	[dreg:$0x2] =	wrdreg s24  }
0xaf: {  	[dreg:$0x3] =	wrdreg $0xD6800  }
0xb0: {  	[dreg:$0x4] =	wrdreg $0x9  }
0xb1: {  	_ =	task.clear_ibuf [dreg:s6], $0x5FFFF;
	_ =	strace $0x9000004C  }
0xb2: {  	s29 =	simm.s32 $0x9;
	_ =	strace $0x8000004E  }
0xb3: {  	_ =	swait.ge [sflag:s29], $0x1  }
0xb4: {  	[sflag:s29] =	ssyncadd.s32 $0xFFFFFFFF  }
0xb5: {  	_ =	strace $0x9000004E  }
0xb6: {  	_ =	sfence  }
0xb7: {  	s30 =	sld [smem:$0x0];
	_ =	sdelay $0x2  }
0xb8: {  	s31 =	sshll.u32 s1, $0xD;
	s1 =	sshrl.u32 s1, $0x2  }
0xb9: {  	s3 =	sand.u32 $0x4000, s31;
	s1 =	sadd.s32 s1, s30  }
0xba: {  	s0 =	sor.u32 s3, s0;
	s1 =	sshll.u32 s1, $0x11  }
0xbb: {  	s0 =	sor.u32 s1, s0  }
0xbc: {  	s0 =	sadd.s32 $0x8F2B, s0  }
0xbd: {  	[sflag:s0] =	ssyncadd.remote.s32 $0x1  }
0xbe: {  	_ =	sfence.sel $0xFFFF  }
0xbf: {  	[dreg:$0x0] =	wrdreg $0xFFFFFFFF;
	(pc) =	sbr.abs _section_cstart, $3  }
0xc0: {  	[dreg:$0x1] =	wrdreg $0xFFFFFFFF  }
0xc1: {  	_ =	task.clear_ibuf [dreg:s6], $0x2FFFF;
	_ =	strace $0x9FFFFFFF  }
0xc2: {  	(tm) =	ssettm $0x7FFFFFFF  }
0xc3: {  	_ =	shalt  }
tec
execute0_lowered:
.L_overlay_start_1:
0x0: {  	(tag) =	ssettag $0x1  }
0x1: {  	s0 =	rddreg [dreg:$0x0]  }
0x2: {  	s1 =	rddreg [dreg:$0x1];
	s3 =	simm.s32 $0x0;
	s2 =	srdreg.scid  }
0x3: {  	s10 =	stileid.u32;
	s28 =	simm.s32 $0xE00;
	s29 =	simm.s32 $0x7200  }
0x4: {  	s30 =	simm.s32 $0x1;
	s31 =	simm.s32 $0x400;
	s9 =	smul.u32 $0x2800, s10  }
0x5: {  	s2 =	sand.u32 $0x1, s2;
	s21 =	sshll.u32 s10, $0x1;
	s10 =	smul.u32 $0x9C40, s10  }
0x6: {  	[smem:$0x7FF] =	sst s3;
	s4 =	sadd.s32 $0x7C00, s0;
	s8 =	smul.u32 $0x28000, s2  }
0x7: {  	s5 =	sadd.s32 $0x2C00, s0;
	s6 =	sadd.s32 $0xBF8A00, s0;
	s7 =	sadd.s32 $0xCC00, s0  }
0x8: {  	_ =	strace $0x8000004D;
	s10 =	sshrl.u32 s10, $0x2;
	s8 =	sadd.s32 s9, s8  }
0x9: {  	s9 =	sor.u32 s2, s21;
	s2 =	ssub.s32 $0x2, s2;
	s21 =	simm.s32 $0x600  }
0xa: {  	s8 =	sshrl.u32 s8, $0x3;
	s22 =	sshll.u32 s9, $0x4;
	s23 =	sshrl.u32 s2, $0x1  }
0xb: {  	s9 =	smul.u32 $0x1388, s9;
	s15 =	sadd.s32 s8, s0;
	s0 =	sadd.s32 s22, s0  }
0xc: {  	s2 =	ssub.s32 s2, s23;
	s8 =	sadd.s32 s10, s1;
	s22 =	simm.s32 $0x2  }
0xd: {  	s23 =	simm.s32 $0x100;
	s0 =	sadd.s32 $0xC29E00, s0;
	s11 =	sadd.s32 $0x7D0, s8  }
0xe: {  	s12 =	sadd.s32 $0xFA0, s8;
	s13 =	sadd.s32 $0x1770, s8;
	s14 =	sadd.s32 $0x1F40, s8  }
0xf: {  	s24 =	sadd.s32 $0xC1FE00, s15;
	s25 =	smax.u32 s2, $0x1;
	[dreg:$0x3] =	wrdreg s0  }
0x10: {  	s26 =	sadd.s32 $0xC1FF00, s15;
	s18 =	sadd.s32 $0xC20100, s15;
	[dreg:$0x4] =	wrdreg s24  }
0x11: {  	s19 =	sadd.s32 $0xC20000, s15;
	s20 =	sadd.s32 $0xC20200, s15;
	[dreg:$0x5] =	wrdreg s25  }
0x12: {  	s2 =	simm.s32 $0x0;
	[dreg:$0x6] =	wrdreg s26;
	s24 =	simm.s32 $0xC8  }
0x13: {  	v0 =	vimm.f32 $0.0e+00;
	v1 =	vimm.f32 $1.000000000e+00;
	s25 =	simm.s32 $0x200;
	s26 =	simm.s32 $0x300;
	s0 =	simm.s32 $0x500  }
.LBB2_1:
0x14: {  	s10 =	simm.s32 $0x40;
	s15 =	simm.s32 $0x0  }
.LBB2_2:
0x15: {  	p0 =	sne.s32 s10, $0x1F00;
	[tilespmem:s15+$0x600] =	vst v0;
	s15 =	smov.u32 s10;
	s10 =	sadd.s32 $0x40, s10  }
.Ltmp0:
0x16: {  	(pc) =	sbr.rel @p0 .LBB2_2-.Ltmp0, $2  }
0x17: {  	_ =	sdelay $0x2  }
0x18: {  	s15 =	sshra.s32 s15, $0x2  }
0x19: {  	[tilespmem:s15+$0x600] =	vst v0  }
0x1a: {  	[spmem:s8] =	stream.linear.scatter [tilespmem:s21], [sflag:$0x2], $0x7D0, $0x38;
	[tilespmem:$0xFD90] =	vst v63  }
0x1b: {  	_ =	swait.ge [sflag:s22], $0x7D0  }
0x1c: {  	[sflag:s22] =	ssyncset.done $0x0  }
0x1d: {  	[sflag:s22] =	ssyncadd.s32 $0xFFFFF830  }
0x1e: {  	[spmem:s11] =	stream.linear.scatter [tilespmem:s21], [sflag:$0x2], $0x7D0, $0x38;
	[tilespmem:$0xFD90] =	vst v63  }
0x1f: {  	_ =	swait.ge [sflag:s22], $0x7D0  }
0x20: {  	[sflag:s22] =	ssyncset.done $0x0  }
0x21: {  	[sflag:s22] =	ssyncadd.s32 $0xFFFFF830  }
0x22: {  	[spmem:s12] =	stream.linear.scatter [tilespmem:s21], [sflag:$0x2], $0x7D0, $0x38;
	[tilespmem:$0xFD90] =	vst v63  }
0x23: {  	_ =	swait.ge [sflag:s22], $0x7D0  }
0x24: {  	[sflag:s22] =	ssyncset.done $0x0  }
0x25: {  	[sflag:s22] =	ssyncadd.s32 $0xFFFFF830  }
0x26: {  	[spmem:s13] =	stream.linear.scatter [tilespmem:s21], [sflag:$0x2], $0x7D0, $0x38;
	[tilespmem:$0xFD90] =	vst v63  }
0x27: {  	_ =	swait.ge [sflag:s22], $0x7D0  }
0x28: {  	[sflag:s22] =	ssyncset.done $0x0  }
0x29: {  	[sflag:s22] =	ssyncadd.s32 $0xFFFFF830  }
0x2a: {  	[spmem:s14] =	stream.linear.scatter [tilespmem:s21], [sflag:$0x2], $0x7D0, $0x38;
	[tilespmem:$0xFD90] =	vst v63  }
0x2b: {  	_ =	swait.ge [sflag:s22], $0x7D0  }
0x2c: {  	[sflag:s22] =	ssyncset.done $0x0  }
0x2d: {  	[sflag:s22] =	ssyncadd.s32 $0xFFFFF830  }
0x2e: {  	[tilespmem:$0x500] =	vst v1  }
0x2f: {  	[tilespmem:$0x510] =	vst v1  }
0x30: {  	[tilespmem:$0x520] =	vst v1  }
0x31: {  	[tilespmem:$0x530] =	vst v1  }
0x32: {  	[tilespmem:$0x540] =	vst v1  }
0x33: {  	[tilespmem:$0x550] =	vst v1  }
0x34: {  	[tilespmem:$0x560] =	vst v1  }
0x35: {  	[tilespmem:$0x570] =	vst v1  }
0x36: {  	[tilespmem:$0x580] =	vst v1  }
0x37: {  	[tilespmem:$0x590] =	vst v1  }
0x38: {  	[tilespmem:$0x5A0] =	vst v1  }
0x39: {  	[tilespmem:$0x5B0] =	vst v1  }
0x3a: {  	[tilespmem:$0x5B8] =	vst v1  }
0x3b: {  	s10 =	simm.s32 $0x0;
	v2 =	vimm.f32 $0.0e+00;
	v3 =	vimm.f32 $0.0e+00;
	s15 =	simm.s32 $0x0;
	[bflag:$0x0] =	sbarrier.arrive $0xFFFF  }
.LBB2_4:
0x3c: {  	s16 =	smul.u32 $0xC8, s15;
	_ =	sdelay $0x1  }
0x3d: {  	s16 =	sadd.s32 s9, s16  }
0x3e: {  	s16 =	sshrl.u32 s16, $0x3  }
0x3f: {  	s17 =	sadd.s32 s4, s16  }
0x40: {  	[tilespmem:s10], [sflag:$0x2] =	stream.linear.gather [hbm4b:s17+s10], $0xC8, $0x38;
	[tilespmem:$0xFD90] =	vst v63  }
0x41: {  	_ =	swait.ge [sflag:s22], $0xC8  }
0x42: {  	[sflag:s22] =	ssyncset.done $0x0  }
0x43: {  	s16 =	sadd.s32 s5, s16;
	[sflag:s22] =	ssyncadd.s32 $0xFFFFFF38  }
0x44: {  	[tilespmem:s23], [sflag:$0x2] =	stream.linear.gather [hbm4b:s16+s10], $0xC8, $0x38;
	[tilespmem:$0xFD90] =	vst v63  }
0x45: {  	_ =	swait.ge [sflag:s22], $0xC8  }
0x46: {  	[sflag:s22] =	ssyncset.done $0x0  }
0x47: {  	[sflag:s22] =	ssyncadd.s32 $0xFFFFFF38  }
0x48: {  	v4 =	vld [tilespmem:$0x0]  }
0x49: {  	v5 =	vld [tilespmem:$0x100]  }
0x4a: {  	v6 =	vld [tilespmem:$0x10]  }
0x4b: {  	v7 =	vld [tilespmem:$0x110]  }
0x4c: {  	v8 =	vld [tilespmem:$0x20]  }
0x4d: {  	v9 =	vld [tilespmem:$0x120]  }
0x4e: {  	v10 =	vld [tilespmem:$0x30]  }
0x4f: {  	v11 =	vld [tilespmem:$0x130]  }
0x50: {  	v12 =	vld [tilespmem:$0x40]  }
0x51: {  	v13 =	vld [tilespmem:$0x140]  }
0x52: {  	v14 =	vld [tilespmem:$0x50]  }
0x53: {  	v15 =	vld [tilespmem:$0x150]  }
0x54: {  	v16 =	vld [tilespmem:$0x60]  }
0x55: {  	v17 =	vld [tilespmem:$0x160]  }
0x56: {  	v18 =	vld [tilespmem:$0x70]  }
0x57: {  	v19 =	vld [tilespmem:$0x170]  }
0x58: {  	v20 =	vld [tilespmem:$0x80];
	v4 =	vmul.u32 $0x2710, v4  }
0x59: {  	v21 =	vld [tilespmem:$0x180];
	v6 =	vmul.u32 $0x2710, v6  }
0x5a: {  	v49 =	vld [tilespmem:$0x90];
	v4 =	vadd.s32 v5, v4;
	v5 =	vmul.u32 $0x2710, v8  }
0x5b: {  	v50 =	vld [tilespmem:$0xA0];
	[tilespmem:$0x200] =	vst v4;
	v4 =	vadd.s32 v7, v6;
	v6 =	vmul.u32 $0x2710, v10  }
0x5c: {  	v51 =	vld [tilespmem:$0x1A0];
	[tilespmem:$0x210] =	vst v4;
	v4 =	vadd.s32 v9, v5;
	v5 =	vmul.u32 $0x2710, v12  }
0x5d: {  	v52 =	vld [tilespmem:$0xB0];
	[tilespmem:$0x220] =	vst v4;
	v4 =	vadd.s32 v11, v6;
	v6 =	vmul.u32 $0x2710, v14  }
0x5e: {  	v7 =	vld [tilespmem:$0x190];
	[tilespmem:$0x230] =	vst v4;
	v4 =	vadd.s32 v13, v5;
	v5 =	vmul.u32 $0x2710, v16  }
0x5f: {  	v53 =	vld [tilespmem:$0xB8];
	[tilespmem:$0x240] =	vst v4;
	v4 =	vadd.s32 v15, v6;
	v6 =	vmul.u32 $0x2710, v18  }
0x60: {  	v54 =	vld [tilespmem:$0x1B0];
	[tilespmem:$0x250] =	vst v4;
	v4 =	vadd.s32 v17, v5;
	v5 =	vmul.u32 $0x2710, v20  }
0x61: {  	v55 =	vld [tilespmem:$0x1B8];
	[tilespmem:$0x260] =	vst v4;
	v4 =	vadd.s32 v19, v6;
	v6 =	vmul.u32 $0x2710, v49  }
0x62: {  	[tilespmem:$0x270] =	vst v4;
	v4 =	vadd.s32 v21, v5;
	v5 =	vmul.u32 $0x2710, v50  }
0x63: {  	[tilespmem:$0x280] =	vst v4;
	v4 =	vadd.s32 v7, v6;
	v6 =	vmul.u32 $0x2710, v52  }
0x64: {  	[tilespmem:$0x290] =	vst v4;
	v4 =	vadd.s32 v51, v5;
	v5 =	vmul.u32 $0x2710, v53  }
0x65: {  	[tilespmem:$0x2A0] =	vst v4;
	v4 =	vadd.s32 v54, v6  }
0x66: {  	[tilespmem:$0x2B0] =	vst v4;
	v4 =	vadd.s32 v55, v5  }
0x67: {  	[tilespmem:$0x2B8] =	vst v4  }
0x68: {  	[tilespmem:s26], [sflag:$0x1] =	stream.indirect.gather [hbm4b:s7+s24], $0x1, s25, s24, $0xb8;
	[tilespmem:$0xFD90] =	vst v63  }
0x69: {  	_ = 	snop  }
0x6a: {  	[tilespmem:s28], [sflag:$0x1] =	stream.indirect.gather [hbm4b:s6+s24], $0x80, s10, s24, $0xb8;
	[tilespmem:$0xFD90] =	vst v63  }
0x6b: {  	_ = 	snop  }
0x6c: {  	[tilespmem:s29], [sflag:$0x1] =	stream.indirect.gather [hbm4b:s6+s24], $0x80, s23, s24, $0xb8;
	[tilespmem:$0xFD90] =	vst v63  }
0x6d: {  	_ =	swait.ge [sflag:s30], $0xC8  }
0x6e: {  	[sflag:s30] =	ssyncset.done $0x0  }
0x6f: {  	[sflag:s30] =	ssyncadd.s32 $0xFFFFFF38  }
0x70: {  	v4 =	vld [tilespmem:$0x300]  }
0x71: {  	v5 =	vld [tilespmem:$0x310]  }
0x72: {  	v6 =	vld [tilespmem:$0x320]  }
0x73: {  	v7 =	vld [tilespmem:$0x330]  }
0x74: {  	v56 =	vld [tilespmem:$0x340]  }
0x75: {  	v57 =	vld [tilespmem:$0x350];
	v4 =	vtrunc.f32 v4  }
0x76: {  	v58 =	vld [tilespmem:$0x360];
	v5 =	vtrunc.f32 v5;
	v4 =	vcvt.f32.s32 v4  }
0x77: {  	v59 =	vld [tilespmem:$0x370];
	v6 =	vtrunc.f32 v6;
	v5 =	vcvt.f32.s32 v5  }
0x78: {  	[tilespmem:$0x400] =	vst v4;
	v4 =	vcvt.f32.s32 v6;
	v6 =	vtrunc.f32 v7;
	v7 =	vld [tilespmem:$0x380]  }
0x79: {  	v60 =	vld [tilespmem:$0x390];
	[tilespmem:$0x410] =	vst v5;
	v5 =	vcvt.f32.s32 v6;
	v6 =	vtrunc.f32 v56  }
0x7a: {  	v61 =	vld [tilespmem:$0x3A0];
	[tilespmem:$0x420] =	vst v4;
	v4 =	vcvt.f32.s32 v6;
	v6 =	vtrunc.f32 v57  }
0x7b: {  	v62 =	vld [tilespmem:$0x3B0];
	[tilespmem:$0x430] =	vst v5;
	v5 =	vcvt.f32.s32 v6;
	v6 =	vtrunc.f32 v58  }
0x7c: {  	v63 =	vld [tilespmem:$0x3B8];
	[tilespmem:$0x440] =	vst v4;
	v4 =	vcvt.f32.s32 v6;
	v6 =	vtrunc.f32 v59  }
0x7d: {  	[tilespmem:$0x450] =	vst v5;
	v5 =	vcvt.f32.s32 v6;
	v6 =	vtrunc.f32 v7  }
0x7e: {  	[tilespmem:$0x460] =	vst v4;
	v4 =	vcvt.f32.s32 v6;
	v6 =	vtrunc.f32 v60  }
0x7f: {  	[tilespmem:$0x470] =	vst v5;
	v5 =	vcvt.f32.s32 v6;
	v6 =	vtrunc.f32 v61  }
0x80: {  	[tilespmem:$0x480] =	vst v4;
	v4 =	vcvt.f32.s32 v6;
	v6 =	vtrunc.f32 v62  }
0x81: {  	[tilespmem:$0x490] =	vst v5;
	v5 =	vcvt.f32.s32 v6;
	v6 =	vtrunc.f32 v63  }
0x82: {  	[tilespmem:$0x4A0] =	vst v4;
	v4 =	vcvt.f32.s32 v6  }
0x83: {  	[tilespmem:$0x4B0] =	vst v5  }
0x84: {  	[tilespmem:$0x4B8] =	vst v4  }
0x85: {  	[spmem:s1] =	stream.indirect.scatter.add.f32 [tilespmem:s0], [sflag:$0x2], $0x1, s31, s24, $0xb8;
	[tilespmem:$0xFD90] =	vst v63  }
0x86: {  	_ =	swait.ge [sflag:s22], $0xC8  }
0x87: {  	[sflag:s22] =	ssyncset.done $0x0  }
0x88: {  	[sflag:s22] =	ssyncadd.s32 $0xFFFFFF38  }
0x89: {  	_ =	swait.ge [sflag:s30], $0x6400  }
0x8a: {  	[sflag:s30] =	ssyncset.done $0x0  }
0x8b: {  	[sflag:s30] =	ssyncadd.s32 $0xFFFF9C00  }
0x8c: {  	_ =	swait.ge [sflag:s30], $0x6400  }
0x8d: {  	[sflag:s30] =	ssyncset.done $0x0  }
0x8e: {  	s17 =	simm.s32 $0x0;
	[sflag:s30] =	ssyncadd.s32 $0xFFFF9C00  }
0x8f: {  	v4 =	vld [tilespmem:s17+$0xE00]  }
0x90: {  	s16 =	simm.s32 $0x200;
	v5 =	vld [tilespmem:s17+$0x7200]  }
.LBB2_5:
0x91: {  	_ = 	snop  }
0x92: {  	p0 =	sne.s32 s16, $0x18E00  }
.Ltmp1:
0x93: {  	_ = 	snop;
	(pc) =	sbr.rel @p0 .LBB2_5-.Ltmp1, $4  }
0x94: {  	_ = 	snop  }
0x95: {  	s17 =	sshra.s32 s16, $0x2;
	v6 =	vmul.f32 v4, v4;
	v7 =	vmul.f32 v5, v4  }
0x96: {  	v4 =	vld [tilespmem:s17+$0xE00]  }
0x97: {  	s16 =	sadd.s32 $0x200, s16;
	v5 =	vld [tilespmem:s17+$0x7200];
	v2 =	vadd.f32 v6, v2;
	v3 =	vadd.f32 v7, v3  }
0x98: {  	s15 =	sadd.s32 $0x1, s15  }
0x99: {  	p0 =	sne.s32 s15, $0x19  }
.Ltmp2:
0x9a: {  	_ = 	snop;
	(pc) =	sbr.rel @p0 .LBB2_4-.Ltmp2, $3  }
0x9b: {  	_ = 	snop  }
0x9c: {  	v6 =	vmul.f32 v4, v4;
	v4 =	vmul.f32 v5, v4;
	_ =	sdelay $0x1  }
0x9d: {  	v2 =	vadd.f32 v6, v2;
	v3 =	vadd.f32 v4, v3  }
0x9e: {  	_ = 	snop  }
0x9f: {  	[tilespmem:$0xD600] =	vst v3  }
0xa0: {  	s10 =	rddreg [dreg:$0x3];
	s15 =	simm.s32 $0xD600;
	[tilespmem:$0xD610] =	vst v2  }
0xa1: {  	[hbm4b:s10+s3] =	stream.linear.scatter [tilespmem:s15], [sflag:$0x2], $0x80, $0x38;
	[tilespmem:$0xFD90] =	vst v63  }
0xa2: {  	_ =	swait.ge [sflag:s22], $0x80  }
0xa3: {  	[sflag:s22] =	ssyncset.done $0x0  }
0xa4: {  	[sflag:s22] =	ssyncadd.s32 $0xFFFFFF80  }
0xa5: {  	[bflag:$0x0] =	sbarrier.arrive $0xFFFF  }
0xa6: {  	[tilespmem:s21], [sflag:$0x2] =	stream.linear.gather [spmem:s8], $0x7D0, $0x38;
	[tilespmem:$0xFD90] =	vst v63  }
0xa7: {  	_ =	swait.ge [sflag:s22], $0x7D0  }
0xa8: {  	[sflag:s22] =	ssyncset.done $0x0  }
0xa9: {  	s15 =	rddreg [dreg:$0x4];
	[sflag:s22] =	ssyncadd.s32 $0xFFFFF830  }
0xaa: {  	[hbm4b:s15+s3] =	stream.linear.scatter [tilespmem:s21], [sflag:$0x2], $0x800, $0x38;
	[tilespmem:$0xFD90] =	vst v63  }
0xab: {  	_ =	swait.ge [sflag:s22], $0x800  }
0xac: {  	[sflag:s22] =	ssyncset.done $0x0  }
0xad: {  	[sflag:s22] =	ssyncadd.s32 $0xFFFFF800  }
0xae: {  	[tilespmem:s21], [sflag:$0x2] =	stream.linear.gather [spmem:s11], $0x7D0, $0x38;
	[tilespmem:$0xFD90] =	vst v63  }
0xaf: {  	_ =	swait.ge [sflag:s22], $0x7D0  }
0xb0: {  	[sflag:s22] =	ssyncset.done $0x0  }
0xb1: {  	s16 =	rddreg [dreg:$0x6];
	[sflag:s22] =	ssyncadd.s32 $0xFFFFF830  }
0xb2: {  	[hbm4b:s16+s3] =	stream.linear.scatter [tilespmem:s21], [sflag:$0x2], $0x800, $0x38;
	[tilespmem:$0xFD90] =	vst v63  }
0xb3: {  	_ =	swait.ge [sflag:s22], $0x800  }
0xb4: {  	[sflag:s22] =	ssyncset.done $0x0  }
0xb5: {  	[sflag:s22] =	ssyncadd.s32 $0xFFFFF800  }
0xb6: {  	[tilespmem:s21], [sflag:$0x2] =	stream.linear.gather [spmem:s12], $0x7D0, $0x38;
	[tilespmem:$0xFD90] =	vst v63  }
0xb7: {  	_ =	swait.ge [sflag:s22], $0x7D0  }
0xb8: {  	[sflag:s22] =	ssyncset.done $0x0  }
0xb9: {  	[sflag:s22] =	ssyncadd.s32 $0xFFFFF830  }
0xba: {  	[hbm4b:s19+s3] =	stream.linear.scatter [tilespmem:s21], [sflag:$0x2], $0x800, $0x38;
	[tilespmem:$0xFD90] =	vst v63  }
0xbb: {  	_ =	swait.ge [sflag:s22], $0x800  }
0xbc: {  	[sflag:s22] =	ssyncset.done $0x0  }
0xbd: {  	[sflag:s22] =	ssyncadd.s32 $0xFFFFF800  }
0xbe: {  	[tilespmem:s21], [sflag:$0x2] =	stream.linear.gather [spmem:s13], $0x7D0, $0x38;
	[tilespmem:$0xFD90] =	vst v63  }
0xbf: {  	_ =	swait.ge [sflag:s22], $0x7D0  }
0xc0: {  	[sflag:s22] =	ssyncset.done $0x0  }
0xc1: {  	[sflag:s22] =	ssyncadd.s32 $0xFFFFF830  }
0xc2: {  	[hbm4b:s18+s3] =	stream.linear.scatter [tilespmem:s21], [sflag:$0x2], $0x800, $0x38;
	[tilespmem:$0xFD90] =	vst v63  }
0xc3: {  	_ =	swait.ge [sflag:s22], $0x800  }
0xc4: {  	[sflag:s22] =	ssyncset.done $0x0  }
0xc5: {  	[sflag:s22] =	ssyncadd.s32 $0xFFFFF800  }
0xc6: {  	[tilespmem:s21], [sflag:$0x2] =	stream.linear.gather [spmem:s14], $0x7D0, $0x38;
	[tilespmem:$0xFD90] =	vst v63  }
0xc7: {  	_ =	swait.ge [sflag:s22], $0x7D0  }
0xc8: {  	[sflag:s22] =	ssyncset.done $0x0  }
0xc9: {  	[sflag:s22] =	ssyncadd.s32 $0xFFFFF830  }
0xca: {  	[hbm4b:s20+s3] =	stream.linear.scatter [tilespmem:s21], [sflag:$0x2], $0x800, $0x38;
	[tilespmem:$0xFD90] =	vst v63  }
0xcb: {  	_ =	swait.ge [sflag:s22], $0x800  }
0xcc: {  	s2 =	sadd.s32 $0x1, s2;
	s17 =	rddreg [dreg:$0x5]  }
0xcd: {  	p0 =	sne.s32 s2, s17  }
.Ltmp3:
0xce: {  	_ = 	snop;
	(pc) =	sbr.rel @p0 .LBB2_1-.Ltmp3, $3  }
0xcf: {  	_ =	sdelay $0x1  }
0xd0: {  	[sflag:s22] =	ssyncset.done $0x0  }
0xd1: {  	[sflag:s22] =	ssyncadd.s32 $0xFFFFF800  }
0xd2: {  	_ =	sfence.sel $0x180000  }
0xd3: {  	[bflag:$0x0] =	sbarrier.arrive $0xFFFF  }
0xd4: {  	_ =	strace $0x9000004D  }
0xd5: {  	s0 =	stileid.u32;
	[bflag:$0x2] =	sbarrier.arrive $0xFFFF  }
0xd6: {  	p0 =	sne.s32 s0, $0x0;
	s0 =	rddreg [dreg:$0x2]  }
0xd7: {  	s0 =	sadd.s32 @!p0 $0x100000, s0  }
0xd8: {  	[sflag:s0] =	ssyncadd.tile.s32 @!p0 $0x1;
	_ =	shalt  }
.Lfunc_end2:
_tile_overlayer_lowered:
.L_overlay_start_2:
0xd9: {  	(tag) =	ssettag $0x2  }
0xda: {  	s0 =	rddreg [dreg:$0x0];
	s2 =	stileid.u32  }
0xdb: {  	s1 =	rddreg [dreg:$0x1];
	p0 =	sne.s32 s2, $0x0  }
0xdc: {  	s3 =	rddreg [dreg:$0x2];
	[bflag:$0x3] =	sbarrier.arrive $0xFFFF;
	s2 =	simm.s32 @!p0 $0x1C02  }
0xdd: {  	[timem:s3], [sflag:s2] =	dma.local @!p0 [hbm:s0], s1  }
0xde: {  	s0 =	simm.s32 @!p0 $0x2  }
0xdf: {  	_ =	swait.ge @!p0 [sflag:s0], s1  }
0xe0: {  	s1 =	ssub.s32 @!p0 $0x0, s1;
	[sflag:s0] =	ssyncset.done @!p0 $0x0  }
0xe1: {  	[sflag:s0] =	ssyncadd.s32 @!p0 s1  }
0xe2: {  	[bflag:$0x3] =	sbarrier.arrive $0xFFFF  }
0xe3: {  	_ =	shalt  }

// kernel: kernel.19.cloned.1.call-start
scs
__scs_entry_jumppad:
0x0: {  	(pc) =	sbr.rel $0x88, $3  }
0x1: {  	(tag) =	ssettag $0x0;
	lr =	simm.s32 $0x1  }
0x2: {  	[smem:$0x3F99] =	sst lr;
	_ =	strace $0xD0000000  }
0x3: {  	_ = 	snop  }
0x4: {  	_ = 	snop  }
0x5: {  	_ = 	snop  }
0x6: {  	_ = 	snop  }
0x7: {  	_ = 	snop  }
__scs_overlays_trampoline_lowered:
0x8: {  	[smem:$0x3FA8] =	sst s0  }
0x9: {  	[smem:$0x3FA9] =	sst s1  }
0xa: {  	[smem:$0x3FAA] =	sst s2  }
0xb: {  	[smem:$0x3FAB] =	sst s3  }
0xc: {  	[smem:$0x3FAC] =	sst s4  }
0xd: {  	[smem:$0x3FAD] =	sst s5  }
0xe: {  	[smem:$0x3FAE] =	sst s6  }
0xf: {  	[smem:$0x3FAF] =	sst s7  }
0x10: {  	[smem:$0x3FB0] =	sst s8  }
0x11: {  	[smem:$0x3FB1] =	sst s9;
	s0 =	simm.s32 @!p0 $0x0  }
0x12: {  	s1 =	sld [smem:$0x3F97];
	s0 =	simm.s32 @p0 $0x1  }
0x13: {  	[smem:$0x3FB2] =	sst s0;
	s0 =	simm.s32 @!p1 $0x0  }
0x14: {  	s2 =	sld [smem:$0x3F96];
	s0 =	simm.s32 @p1 $0x1  }
0x15: {  	[smem:$0x3FB3] =	sst s0;
	s0 =	simm.s32 @!p2 $0x0  }
0x16: {  	s3 =	sld [smem:$0x3FDB];
	s0 =	simm.s32 @p2 $0x1  }
0x17: {  	s4 =	simm.s32 $0x1BF5;
	[smem:$0x3FB5] =	sst s0  }
0x18: {  	s0 =	sld [smem:$0x3F98];
	_ =	swait.ge [sflag:s4], $0x0  }
0x19: {  	s7 =	sld [smem:$0x3F99]  }
0x1a: {  	s8 =	sadd.s32 $0xFFFFE003, lr  }
0x1b: {  	s9 =	sadd.s32 $0xFFFFFEF7, lr;
	s5 =	simm.s32 $0xFFFFFFFF;
	p2 =	slt.u32 s8, $0xFFFFF086  }
0x1c: {  	p1 =	slt.u32 s9, $0xF7A;
	s5 =	simm.s32 @!p2 $0x0  }
0x1d: {  	s5 =	simm.s32 @p1 $0x1;
	p0 =	seq.s32 s7, s2  }
0x1e: {  	s7 =	smul.u32 @!p0 $0xF7A, s2;
	p2 =	seq.s32 @!p0 s5, $0x0  }
0x1f: {  	s9 =	smul.u32 $0xF7A, s1;
	s8 =	simm.s32 @!p0 $0x1BF5;
	p2 =	por !p2, p0  }
0x20: {  	[sflag:s8] =	ssyncset.s32 @!p0 $0xFFFFF086;
	s6 =	sadd.s32 @!p0 s3, s7;
	s7 =	simm.s32 @!p0 $0x108  }
0x21: {  	s3 =	sadd.s32 s3, s9;
	s6 =	sadd.s32 @!p0 $0x88, s6;
	s7 =	simm.s32 @p2 $0x1082  }
0x22: {  	[simem:s7], [sflag:s8] =	dma.local @!p0 [hbm:s6], $0xF7A  }
0x23: {  	s9 =	sor.u32 $0xD0000000, s2;
	s6 =	simm.s32 $0x108;
	_ =	swait.ge @!p0 [sflag:s8], $0x0  }
0x24: {  	s3 =	sadd.s32 $0x88, s3;
	s6 =	simm.s32 @!p1 $0x1082;
	[sflag:s4] =	ssyncset.s32 $0xFFFFF086  }
0x25: {  	[simem:s6], [sflag:s4] =	dma.local [hbm:s3], $0xF7A  }
0x26: {  	[smem:$0x3F99] =	sst s1;
	(tag) =	ssettag s2;
	_ =	strace s9  }
0x27: {  	s1 =	sld [smem:$0x3FA9]  }
0x28: {  	s2 =	sld [smem:$0x3FAA]  }
0x29: {  	s4 =	sld [smem:$0x3FAC]  }
0x2a: {  	p0 =	seq.s32 s5, $0x0;
	s5 =	sld [smem:$0x3FAD]  }
0x2b: {  	s6 =	sld [smem:$0x3FAE]  }
0x2c: {  	s7 =	sld [smem:$0x3FAF]  }
0x2d: {  	s3 =	simm.s32 $0x108;
	s8 =	sld [smem:$0x3FB0]  }
0x2e: {  	s3 =	simm.s32 @!p0 $0x1082;
	s9 =	sld [smem:$0x3FB1]  }
0x2f: {  	lr =	sadd.s32 s0, s3;
	s0 =	sld [smem:$0x3FA8]  }
0x30: {  	s3 =	sld [smem:$0x3FAB]  }
0x31: {  	[smem:$0x3FB4] =	sst s10  }
0x32: {  	s10 =	sld [smem:$0x3FB2];
	_ =	sdelay $0x3  }
0x33: {  	p0 =	seq.s32 s10, $0x1;
	s10 =	sld [smem:$0x3FB4];
	_ =	sdelay $0x3  }
0x34: {  	[smem:$0x3FB4] =	sst s10  }
0x35: {  	s10 =	sld [smem:$0x3FB3];
	_ =	sdelay $0x3  }
0x36: {  	p1 =	seq.s32 s10, $0x1;
	s10 =	sld [smem:$0x3FB4];
	_ =	sdelay $0x3  }
0x37: {  	[smem:$0x3FB4] =	sst s10  }
0x38: {  	s10 =	sld [smem:$0x3FB5]  }
0x39: {  	_ = 	snop;
	(pc) =	sbr.ind lr, $3  }
0x3a: {  	_ = 	snop  }
0x3b: {  	_ = 	snop  }
0x3c: {  	p2 =	seq.s32 s10, $0x1;
	s10 =	sld [smem:$0x3FB4]  }
0x3d: {  	_ =	shalt  }
0x3e: {  	_ =	shalt  }
0x3f: {  	_ =	shalt  }
0x40: {  	_ =	shalt  }
0x41: {  	_ =	shalt  }
0x42: {  	_ =	shalt  }
0x43: {  	_ =	shalt  }
0x44: {  	_ =	shalt  }
0x45: {  	_ =	shalt  }
0x46: {  	_ =	shalt  }
0x47: {  	_ =	shalt  }
0x48: {  	_ =	shalt  }
0x49: {  	_ =	shalt  }
0x4a: {  	_ =	shalt  }
0x4b: {  	_ =	shalt  }
0x4c: {  	_ =	shalt  }
0x4d: {  	_ =	shalt  }
0x4e: {  	_ =	shalt  }
0x4f: {  	_ =	shalt  }
0x50: {  	_ =	shalt  }
0x51: {  	_ =	shalt  }
0x52: {  	_ =	shalt  }
0x53: {  	_ =	shalt  }
0x54: {  	_ =	shalt  }
0x55: {  	_ =	shalt  }
0x56: {  	_ =	shalt  }
0x57: {  	_ =	shalt  }
0x58: {  	_ =	shalt  }
0x59: {  	_ =	shalt  }
0x5a: {  	_ =	shalt  }
0x5b: {  	_ =	shalt  }
0x5c: {  	_ =	shalt  }
0x5d: {  	_ =	shalt  }
0x5e: {  	_ =	shalt  }
0x5f: {  	_ =	shalt  }
0x60: {  	_ =	shalt  }
0x61: {  	_ =	shalt  }
0x62: {  	_ =	shalt  }
0x63: {  	_ =	shalt  }
0x64: {  	_ =	shalt  }
0x65: {  	_ =	shalt  }
0x66: {  	_ =	shalt  }
0x67: {  	_ =	shalt  }
0x68: {  	_ =	shalt  }
0x69: {  	_ =	shalt  }
0x6a: {  	_ =	shalt  }
0x6b: {  	_ =	shalt  }
0x6c: {  	_ =	shalt  }
0x6d: {  	_ =	shalt  }
0x6e: {  	_ =	shalt  }
0x6f: {  	_ =	shalt  }
0x70: {  	_ =	shalt  }
0x71: {  	_ =	shalt  }
0x72: {  	_ =	shalt  }
0x73: {  	_ =	shalt  }
0x74: {  	_ =	shalt  }
0x75: {  	_ =	shalt  }
0x76: {  	_ =	shalt  }
0x77: {  	_ =	shalt  }
0x78: {  	_ =	shalt  }
0x79: {  	_ =	shalt  }
0x7a: {  	_ =	shalt  }
0x7b: {  	_ =	shalt  }
0x7c: {  	_ =	shalt  }
0x7d: {  	_ =	shalt  }
0x7e: {  	_ =	shalt  }
0x7f: {  	_ =	shalt  }
0x80: {  	_ =	shalt  }
0x81: {  	_ =	shalt  }
0x82: {  	_ =	shalt  }
0x83: {  	_ =	shalt  }
0x84: {  	_ =	shalt  }
0x85: {  	_ =	shalt  }
0x86: {  	_ =	shalt  }
0x87: {  	_ =	shalt  }
.Lfunc_end0:
.L_simem_size_0:
called_computation.3_lowered:
.L_overlay_start_0:
0x88: {  	s2 =	sld [smem:$0x3FD9]  }
0x89: {  	s3 =	sld [smem:$0x3FFE];
	_ =	sdelay $0x1  }
0x8a: {  	s1 =	srdreg.scid  }
0x8b: {  	s0 =	sand.u32 $0x1, s1  }
0x8c: {  	s16 =	sshll.u32 s0, $0xA;
	s2 =	sadd.s32 s3, s2  }
0x8d: {  	s2 =	sadd.s32 s2, s16  }
0x8e: {  	[smem:$0x3FC0] =	sst s2  }
0x8f: {  	_ = 	snop  }
0x90: {  	(tm) =	ssettm $0x1  }
0x91: {  	s17 =	sld [smem:$0x3FFB];
	_ =	sdelay $0x3  }
0x92: {  	_ =	strace s17  }
0x93: {  	s2 =	sld [smem:$0x3FFC];
	_ =	sdelay $0x3  }
0x94: {  	_ =	strace s2  }
0x95: {  	s2 =	sld [smem:$0x3FFD];
	_ =	sdelay $0x3  }
0x96: {  	_ =	strace s2  }
0x97: {  	_ =	strace $0x8FFFFFFF  }
0x98: {  	s18 =	sld [smem:$0x3FDB];
	_ =	sdelay $0x1  }
0x99: {  	s19 =	simm.s32 $_scs_section_size  }
0x9a: {  	s4 =	simm.s32 $_size__tile_overlayer_lowered;
	s5 =	simm.s32 $_tile_overlayer_lowered  }
0x9b: {  	s22 =	simm.s32 $0x1BFF;
	s21 =	sshll.u32 s5, $0x1;
	s2 =	sadd.s32 s19, s18  }
0x9c: {  	s6 =	simm.s32 $0x0;
	s20 =	sshll.u32 s4, $0x1;
	s4 =	sadd.s32 s21, s2  }
0x9d: {  	[timem:s6], [sflag:s22] =	dma.local [hbm:s4], s20  }
0x9e: {  	_ =	swait.ge [sflag:s22], s20  }
0x9f: {  	s3 =	ssub.s32 $0x0, s20;
	[sflag:s22] =	ssyncset.done $0x0  }
0xa0: {  	[sflag:s22] =	ssyncadd.s32 s3;
	_ =	sdelay $0x1  }
0xa1: {  	s23 =	simm.s32 $0x1B8B  }
0xa2: {  	_ =	swait.ge [sflag:s23], $0x1  }
0xa3: {  	[sflag:s23] =	ssyncset.done $0x0  }
0xa4: {  	s25 =	simm.s32 $0x1B8E;
	s24 =	sld [smem:$0x3FFE];
	[sflag:s23] =	ssyncadd.s32 $0xFFFFFFFF  }
0xa5: {  	s26 =	simm.s32 $execute0_lowered;
	[smem:$0x3FD2] =	sst s25  }
0xa6: {  	s4 =	sshll.u32 s26, $0x1;
	_ =	strace $0x8000004F;
	[dreg:$0x1] =	wrdreg $0xFFFFFFFF  }
0xa7: {  	s28 =	simm.s32 $_size_execute0_lowered;
	s2 =	sadd.s32 s2, s4;
	[dreg:$0x0] =	wrdreg $0x0  }
0xa8: {  	s4 =	sshll.u32 s28, $0x1;
	[dreg:$0x2] =	wrdreg s2  }
0xa9: {  	[dreg:$0x3] =	wrdreg s4  }
0xaa: {  	[dreg:$0x4] =	wrdreg $0xC0  }
0xab: {  	_ =	task [dreg:s6], $0x5FFFF  }
0xac: {  	[dreg:$0x1] =	wrdreg $0xFFFFFFFF  }
0xad: {  	[dreg:$0x0] =	wrdreg $0x60  }
0xae: {  	[dreg:$0x2] =	wrdreg s24  }
0xaf: {  	[dreg:$0x3] =	wrdreg $0x9  }
0xb0: {  	_ =	task.clear_ibuf [dreg:s6], $0x4FFFF;
	_ =	strace $0x9000004F  }
0xb1: {  	s29 =	simm.s32 $0x9;
	_ =	strace $0x80000051  }
0xb2: {  	_ =	swait.ge [sflag:s29], $0x1  }
0xb3: {  	[sflag:s29] =	ssyncadd.s32 $0xFFFFFFFF  }
0xb4: {  	_ =	strace $0x90000051  }
0xb5: {  	_ =	sfence  }
0xb6: {  	s30 =	sld [smem:$0x0];
	_ =	sdelay $0x2  }
0xb7: {  	s31 =	sshll.u32 s1, $0xD;
	s1 =	sshrl.u32 s1, $0x2  }
0xb8: {  	s3 =	sand.u32 $0x4000, s31;
	s1 =	sadd.s32 s1, s30  }
0xb9: {  	s0 =	sor.u32 s3, s0;
	s1 =	sshll.u32 s1, $0x11  }
0xba: {  	s0 =	sor.u32 s1, s0  }
0xbb: {  	s0 =	sadd.s32 $0x8F2B, s0  }
0xbc: {  	[sflag:s0] =	ssyncadd.remote.s32 $0x1  }
0xbd: {  	_ =	sfence.sel $0xFFFF  }
0xbe: {  	[dreg:$0x0] =	wrdreg $0xFFFFFFFF;
	(pc) =	sbr.abs _section_cstart, $3  }
0xbf: {  	[dreg:$0x1] =	wrdreg $0xFFFFFFFF  }
0xc0: {  	_ =	task.clear_ibuf [dreg:s6], $0x2FFFF;
	_ =	strace $0x9FFFFFFF  }
0xc1: {  	(tm) =	ssettm $0x7FFFFFFF  }
tec
execute0_lowered:
.L_overlay_start_1:
0x0: {  	(tag) =	ssettag $0x1  }
0x1: {  	s1 =	srdreg.scid  }
0x2: {  	s0 =	stileid.u32;
	s5 =	rddreg [dreg:$0x0]  }
0x3: {  	s2 =	simm.s32 $0x0;
	s8 =	simm.s32 $0x1;
	s9 =	simm.s32 $0x100  }
0x4: {  	s10 =	simm.s32 $0x300;
	s3 =	sand.u32 $0x1, s1;
	s4 =	smul.u32 $0x2710, s0  }
0x5: {  	s11 =	simm.s32 $0xC8;
	s12 =	simm.s32 $0x200;
	s6 =	smul.u32 $0x1388, s3  }
0x6: {  	s13 =	simm.s32 $0x0;
	s1 =	rddreg [dreg:$0x1];
	s3 =	ssub.s32 $0x2, s3  }
0x7: {  	[smem:$0x7FF] =	sst s2;
	s31 =	sshrl.u32 s3, $0x1;
	s4 =	sadd.s32 s6, s4  }
0x8: {  	_ =	strace $0x80000050;
	s6 =	ssub.s32 s3, s31;
	s4 =	sshrl.u32 s4, $0x3  }
0x9: {  	s3 =	sadd.s32 $0xCC00, s5;
	s7 =	sadd.s32 s4, s5;
	s4 =	smax.u32 s6, $0x1  }
0xa: {  	s5 =	sadd.s32 $0xC1FE00, s7;
	s6 =	sadd.s32 $0x2C00, s7;
	s7 =	sadd.s32 $0x7C00, s7  }
.LBB2_1:
0xb: {  	s14 =	sadd.s32 $0x0, s7  }
0xc: {  	[tilespmem:s2], [sflag:$0x1] =	stream.linear.gather [hbm4b:s14+s2], $0xC8, $0x38;
	[tilespmem:$0x400] =	vst v63  }
0xd: {  	_ =	swait.ge [sflag:s8], $0xC8  }
0xe: {  	[sflag:s8] =	ssyncset.done $0x0  }
0xf: {  	s30 =	sadd.s32 $0x0, s6;
	[sflag:s8] =	ssyncadd.s32 $0xFFFFFF38  }
0x10: {  	[tilespmem:s9], [sflag:$0x1] =	stream.linear.gather [hbm4b:s30+s2], $0xC8, $0x38;
	[tilespmem:$0x400] =	vst v63  }
0x11: {  	_ =	swait.ge [sflag:s8], $0xC8  }
0x12: {  	[sflag:s8] =	ssyncset.done $0x0  }
0x13: {  	s31 =	sadd.s32 $0x0, s5;
	[sflag:s8] =	ssyncadd.s32 $0xFFFFFF38  }
0x14: {  	[tilespmem:s10], [sflag:$0x1] =	stream.linear.gather [hbm4b:s31+s2], $0xC8, $0x38;
	[tilespmem:$0x400] =	vst v63  }
0x15: {  	_ =	swait.ge [sflag:s8], $0xC8  }
0x16: {  	[sflag:s8] =	ssyncset.done $0x0  }
0x17: {  	[sflag:s8] =	ssyncadd.s32 $0xFFFFFF38  }
0x18: {  	v5 =	vld [tilespmem:$0x130]  }
0x19: {  	v4 =	vld [tilespmem:$0xA0]  }
0x1a: {  	v3 =	vld [tilespmem:$0x140]  }
0x1b: {  	v1 =	vld [tilespmem:$0x3A0]  }
0x1c: {  	v2 =	vld [tilespmem:$0x1A0]  }
0x1d: {  	v9 =	vld [tilespmem:$0x30]  }
0x1e: {  	v0 =	vld [tilespmem:$0x310]  }
0x1f: {  	v13 =	vld [tilespmem:$0x160]  }
0x20: {  	v11 =	vld [tilespmem:$0x360]  }
0x21: {  	v12 =	vld [tilespmem:$0x100]  }
0x22: {  	v10 =	vld [tilespmem:$0x120]  }
0x23: {  	v8 =	vld [tilespmem:$0x340]  }
0x24: {  	v6 =	vld [tilespmem:$0x370]  }
0x25: {  	v15 =	vld [tilespmem:$0x60]  }
0x26: {  	v7 =	vld [tilespmem:$0x300]  }
0x27: {  	v16 =	vld [tilespmem:$0x0]  }
0x28: {  	s14 =	simm.s32 $0x19;
	v14 =	vld [tilespmem:$0x320]  }
.LBB2_2:
0x29: {  	p0 =	sne.s32 s14, $0x258;
	v17 =	vld [tilespmem:$0x3B0];
	s15 =	smov.u32 s14;
	s14 =	sadd.s32 $0x19, s14  }
0x2a: {  	vm0 =	vgt.f32 v6, $0.0e+00;
	v18 =	vld [tilespmem:$0x10]  }
0x2b: {  	v15 =	vmul.u32 $0x2710, v15;
	v6 =	vld [tilespmem:$0x20]  }
0x2c: {  	v16 =	vmul.u32 $0x2710, v16;
	v19 =	vld [tilespmem:$0x110]  }
0x2d: {  	vm1 =	vgt.f32 v7, $0.0e+00;
	v13 =	vadd.s32 v13, v15;
	v20 =	vld [tilespmem:$0x40]  }
0x2e: {  	vm3 =	vgt.f32 v11, $0.0e+00;
	vm2 =	vgt.f32 v14, $0.0e+00;
	[tilespmem:$0x260] =	vst v13;
	v7 =	vld [tilespmem:$0x1B8]  }
0x2f: {  	v11 =	vadd.s32 v12, v16;
	v13 =	vnsel vm3, $0x5F5E100, v13;
	v12 =	vmul.u32 $0x2710, v18;
	v14 =	vld [tilespmem:$0xB8]  }
0x30: {  	[tilespmem:$0x200] =	vst v11;
	v6 =	vmul.u32 $0x2710, v6;
	v15 =	vld [tilespmem:$0xB0];
	v11 =	vnsel vm1, $0x5F5E100, v11  }
0x31: {  	v9 =	vmul.u32 $0x2710, v9;
	vm1 =	vgt.f32 v0, $0.0e+00;
	v12 =	vadd.s32 v19, v12;
	v0 =	vld [tilespmem:$0x330]  }
0x32: {  	v4 =	vmul.u32 $0x2710, v4;
	v6 =	vadd.s32 v10, v6;
	v10 =	vnsel vm1, $0x5F5E100, v12;
	[tilespmem:$0x260] =	vst v13;
	v13 =	vld [tilespmem:$0x390]  }
0x33: {  	v5 =	vadd.s32 v5, v9;
	v9 =	vmul.u32 $0x2710, v20;
	[tilespmem:$0x220] =	vst v6;
	v16 =	vld [tilespmem:$0x1B0]  }
0x34: {  	v2 =	vadd.s32 v2, v4;
	vm1 =	vgt.f32 v1, $0.0e+00;
	v4 =	vnsel vm2, $0x5F5E100, v6;
	[tilespmem:$0x230] =	vst v5;
	v18 =	vld [tilespmem:$0x80]  }
0x35: {  	vm2 =	vgt.f32 v8, $0.0e+00;
	v1 =	vadd.s32 v3, v9;
	[tilespmem:$0x220] =	vst v4;
	v3 =	vld [tilespmem:$0x380];
	v4 =	vnsel vm1, $0x5F5E100, v2  }
0x36: {  	v9 =	vmul.u32 $0x2710, v14;
	v8 =	vmul.u32 $0x2710, v15;
	[tilespmem:$0x240] =	vst v1;
	v6 =	vld [tilespmem:$0x180];
	v1 =	vnsel vm2, $0x5F5E100, v1  }
0x37: {  	v14 =	vld [tilespmem:$0x90];
	[tilespmem:$0x240] =	vst v1  }
0x38: {  	v7 =	vadd.s32 v7, v9;
	[tilespmem:$0x210] =	vst v12;
	v1 =	vld [tilespmem:$0x190];
	v8 =	vadd.s32 v16, v8  }
0x39: {  	vm1 =	vgt.f32 v0, $0.0e+00;
	v9 =	vmul.u32 $0x2710, v18;
	[tilespmem:$0x2B0] =	vst v8;
	v0 =	vld [tilespmem:$0x350]  }
0x3a: {  	v5 =	vnsel vm1, $0x5F5E100, v5;
	v8 =	vld [tilespmem:$0x50];
	[tilespmem:$0x2B8] =	vst v7  }
0x3b: {  	vm1 =	vgt.f32 v3, $0.0e+00;
	v6 =	vadd.s32 v6, v9;
	[tilespmem:$0x2A0] =	vst v2;
	v2 =	vld [tilespmem:$0x2B0]  }
0x3c: {  	v3 =	vld [tilespmem:$0x150];
	v7 =	vmul.u32 $0x2710, v14;
	v9 =	vnsel vm1, $0x5F5E100, v6;
	[tilespmem:$0x2A0] =	vst v4  }
0x3d: {  	[tilespmem:$0x280] =	vst v6;
	v4 =	vld [tilespmem:$0x3B8]  }
0x3e: {  	vm1 =	vgt.f32 v13, $0.0e+00;
	v1 =	vadd.s32 v1, v7;
	[tilespmem:$0x230] =	vst v5  }
0x3f: {  	v5 =	vmul.u32 $0x2710, v8;
	v6 =	vld [tilespmem:$0x70];
	[tilespmem:$0x280] =	vst v9;
	v7 =	vnsel vm1, $0x5F5E100, v1;
	vm1 =	vgt.f32 v17, $0.0e+00  }
0x40: {  	[tilespmem:$0x290] =	vst v1;
	v1 =	vnsel vm1, $0x5F5E100, v2  }
0x41: {  	vm1 =	vgt.f32 v0, $0.0e+00;
	v2 =	vadd.s32 v3, v5;
	v3 =	vld [tilespmem:$0x170];
	[tilespmem:$0x2B0] =	vst v1  }
0x42: {  	[tilespmem:$0x250] =	vst v2;
	v0 =	vnsel vm1, $0x5F5E100, v2;
	v1 =	vld [tilespmem:$0x2B8]  }
0x43: {  	[tilespmem:$0x250] =	vst v0  }
0x44: {  	v0 =	vmul.u32 $0x2710, v6;
	[tilespmem:$0x290] =	vst v7  }
0x45: {  	[tilespmem:$0x200] =	vst v11  }
0x46: {  	vm1 =	vgt.f32 v4, $0.0e+00;
	v0 =	vadd.s32 v3, v0;
	[tilespmem:$0x210] =	vst v10  }
0x47: {  	[tilespmem:$0x270] =	vst v0;
	v0 =	vnsel vm0, $0x5F5E100, v0;
	v1 =	vnsel vm1, $0x5F5E100, v1  }
0x48: {  	[tilespmem:$0x270] =	vst v0  }
0x49: {  	[tilespmem:$0x2B8] =	vst v1  }
0x4a: {  	[hbm4b:s3+s11] =	stream.indirect.scatter [tilespmem:s10], [sflag:$0x1], $0x1, s12, s11, $0xb8;
	[tilespmem:$0x400] =	vst v63  }
0x4b: {  	s16 =	sadd.s32 s15, s7;
	_ =	swait.ge [sflag:s8], $0xC8  }
0x4c: {  	[sflag:s8] =	ssyncset.done $0x0  }
0x4d: {  	[sflag:s8] =	ssyncadd.s32 $0xFFFFFF38  }
0x4e: {  	[tilespmem:s2], [sflag:$0x1] =	stream.linear.gather [hbm4b:s16+s2], $0xC8, $0x38;
	[tilespmem:$0x400] =	vst v63  }
0x4f: {  	_ =	swait.ge [sflag:s8], $0xC8  }
0x50: {  	s16 =	sadd.s32 s15, s6;
	[sflag:s8] =	ssyncset.done $0x0  }
0x51: {  	[sflag:s8] =	ssyncadd.s32 $0xFFFFFF38  }
0x52: {  	[tilespmem:s9], [sflag:$0x1] =	stream.linear.gather [hbm4b:s16+s2], $0xC8, $0x38;
	[tilespmem:$0x400] =	vst v63  }
0x53: {  	_ =	swait.ge [sflag:s8], $0xC8  }
0x54: {  	[sflag:s8] =	ssyncset.done $0x0  }
0x55: {  	s15 =	sadd.s32 s15, s5;
	[sflag:s8] =	ssyncadd.s32 $0xFFFFFF38  }
0x56: {  	[tilespmem:s10], [sflag:$0x1] =	stream.linear.gather [hbm4b:s15+s2], $0xC8, $0x38;
	[tilespmem:$0x400] =	vst v63  }
0x57: {  	_ =	swait.ge [sflag:s8], $0xC8  }
0x58: {  	[sflag:s8] =	ssyncset.done $0x0  }
0x59: {  	[sflag:s8] =	ssyncadd.s32 $0xFFFFFF38  }
0x5a: {  	v5 =	vld [tilespmem:$0x130]  }
0x5b: {  	v4 =	vld [tilespmem:$0xA0]  }
0x5c: {  	v3 =	vld [tilespmem:$0x140]  }
0x5d: {  	v1 =	vld [tilespmem:$0x3A0]  }
0x5e: {  	v2 =	vld [tilespmem:$0x1A0]  }
0x5f: {  	v9 =	vld [tilespmem:$0x30]  }
0x60: {  	v0 =	vld [tilespmem:$0x310]  }
0x61: {  	v13 =	vld [tilespmem:$0x160]  }
0x62: {  	v11 =	vld [tilespmem:$0x360]  }
0x63: {  	v12 =	vld [tilespmem:$0x100]  }
0x64: {  	v10 =	vld [tilespmem:$0x120]  }
0x65: {  	v8 =	vld [tilespmem:$0x340]  }
.Ltmp0:
0x66: {  	v6 =	vld [tilespmem:$0x370];
	(pc) =	sbr.rel @p0 .LBB2_2-.Ltmp0, $4  }
0x67: {  	v15 =	vld [tilespmem:$0x60]  }
0x68: {  	v7 =	vld [tilespmem:$0x300]  }
0x69: {  	v16 =	vld [tilespmem:$0x0]  }
0x6a: {  	v14 =	vld [tilespmem:$0x320]  }
0x6b: {  	v17 =	vld [tilespmem:$0x3B0]  }
0x6c: {  	v18 =	vld [tilespmem:$0x20]  }
0x6d: {  	v19 =	vld [tilespmem:$0x10];
	v9 =	vmul.u32 $0x2710, v9  }
0x6e: {  	v20 =	vld [tilespmem:$0x110];
	v45 =	vmul.u32 $0x2710, v4  }
0x6f: {  	v36 =	vld [tilespmem:$0x330];
	v15 =	vmul.u32 $0x2710, v15;
	v5 =	vadd.s32 v5, v9  }
0x70: {  	v21 =	vld [tilespmem:$0x40];
	v2 =	vadd.s32 v2, v45;
	[tilespmem:$0x230] =	vst v5  }
0x71: {  	v31 =	vld [tilespmem:$0x1B8];
	vm7 =	vgt.f32 v1, $0.0e+00;
	v13 =	vadd.s32 v13, v15;
	[tilespmem:$0x2A0] =	vst v2  }
0x72: {  	vm0 =	vgt.f32 v11, $0.0e+00;
	v35 =	vld [tilespmem:$0xB0];
	v16 =	vmul.u32 $0x2710, v16;
	v50 =	vnsel vm7, $0x5F5E100, v2;
	[tilespmem:$0x260] =	vst v13  }
0x73: {  	v33 =	vld [tilespmem:$0xB8];
	v13 =	vnsel vm0, $0x5F5E100, v13;
	[tilespmem:$0x2A0] =	vst v50  }
0x74: {  	v38 =	vld [tilespmem:$0x1B0];
	v32 =	vadd.s32 v12, v16;
	[tilespmem:$0x260] =	vst v13;
	vm8 =	vgt.f32 v36, $0.0e+00  }
0x75: {  	v39 =	vld [tilespmem:$0x80];
	vm12 =	vgt.f32 v7, $0.0e+00;
	v34 =	vmul.u32 $0x2710, v18;
	[tilespmem:$0x200] =	vst v32;
	v5 =	vnsel vm8, $0x5F5E100, v5  }
0x76: {  	v41 =	vld [tilespmem:$0x180];
	v61 =	vnsel vm12, $0x5F5E100, v32;
	[tilespmem:$0x230] =	vst v5  }
0x77: {  	v44 =	vld [tilespmem:$0x90];
	vm5 =	vgt.f32 v14, $0.0e+00;
	v42 =	vmul.u32 $0x2710, v35;
	v10 =	vadd.s32 v10, v34;
	[tilespmem:$0x200] =	vst v61  }
0x78: {  	v55 =	vld [tilespmem:$0x70];
	v12 =	vmul.u32 $0x2710, v33;
	[tilespmem:$0x220] =	vst v10;
	v10 =	vnsel vm5, $0x5F5E100, v10  }
0x79: {  	v46 =	vld [tilespmem:$0x190];
	v37 =	vmul.u32 $0x2710, v21;
	[tilespmem:$0x220] =	vst v10;
	v10 =	vadd.s32 v38, v42  }
0x7a: {  	v58 =	vld [tilespmem:$0x170];
	v19 =	vmul.u32 $0x2710, v19;
	v12 =	vadd.s32 v31, v12;
	[tilespmem:$0x2B0] =	vst v10  }
0x7b: {  	v40 =	vld [tilespmem:$0x380];
	v48 =	vmul.u32 $0x2710, v39;
	v3 =	vadd.s32 v3, v37;
	[tilespmem:$0x2B8] =	vst v12  }
0x7c: {  	v54 =	vmul.u32 $0x2710, v44;
	v43 =	vadd.s32 v20, v19;
	[tilespmem:$0x240] =	vst v3;
	v51 =	vld [tilespmem:$0x2B0]  }
0x7d: {  	v53 =	vld [tilespmem:$0x390];
	v62 =	vmul.u32 $0x2710, v55;
	v1 =	vadd.s32 v41, v48;
	[tilespmem:$0x210] =	vst v43  }
0x7e: {  	v4 =	vadd.s32 v46, v54;
	[tilespmem:$0x280] =	vst v1  }
0x7f: {  	vm6 =	vgt.f32 v8, $0.0e+00;
	v49 =	vld [tilespmem:$0x50];
	vm13 =	vgt.f32 v0, $0.0e+00;
	v0 =	vadd.s32 v58, v62;
	[tilespmem:$0x290] =	vst v4  }
0x80: {  	v47 =	vld [tilespmem:$0x350];
	vm10 =	vgt.f32 v17, $0.0e+00;
	v3 =	vnsel vm6, $0x5F5E100, v3;
	[tilespmem:$0x270] =	vst v0  }
0x81: {  	v52 =	vld [tilespmem:$0x150];
	vm9 =	vgt.f32 v40, $0.0e+00;
	[tilespmem:$0x240] =	vst v3;
	v56 =	vnsel vm10, $0x5F5E100, v51  }
0x82: {  	v59 =	vld [tilespmem:$0x3B8];
	vm1 =	vgt.f32 v53, $0.0e+00;
	v1 =	vnsel vm9, $0x5F5E100, v1;
	[tilespmem:$0x2B0] =	vst v56  }
0x83: {  	v4 =	vnsel vm1, $0x5F5E100, v4;
	[tilespmem:$0x280] =	vst v1;
	v60 =	vld [tilespmem:$0x2B8]  }
0x84: {  	vm14 =	vgt.f32 v6, $0.0e+00;
	v63 =	vnsel vm13, $0x5F5E100, v43;
	v3 =	vmul.u32 $0x2710, v49;
	[tilespmem:$0x290] =	vst v4  }
0x85: {  	v0 =	vnsel vm14, $0x5F5E100, v0;
	[tilespmem:$0x210] =	vst v63  }
0x86: {  	vm11 =	vgt.f32 v47, $0.0e+00;
	[tilespmem:$0x270] =	vst v0;
	v57 =	vadd.s32 v52, v3  }
0x87: {  	s13 =	sadd.s32 $0x1, s13;
	vm15 =	vgt.f32 v59, $0.0e+00;
	[tilespmem:$0x250] =	vst v57;
	v2 =	vnsel vm11, $0x5F5E100, v57  }
0x88: {  	p0 =	sne.s32 s13, s4;
	[tilespmem:$0x250] =	vst v2;
	v1 =	vnsel vm15, $0x5F5E100, v60  }
.Ltmp1:
0x89: {  	[tilespmem:$0x2B8] =	vst v1;
	(pc) =	sbr.rel @p0 .LBB2_1-.Ltmp1, $4  }
0x8a: {  	[hbm4b:s3+s11] =	stream.indirect.scatter [tilespmem:s10], [sflag:$0x1], $0x1, s12, s11, $0xb8;
	[tilespmem:$0x400] =	vst v63  }
0x8b: {  	_ =	swait.ge [sflag:s8], $0xC8  }
0x8c: {  	[sflag:s8] =	ssyncset.done $0x0  }
0x8d: {  	[sflag:s8] =	ssyncadd.s32 $0xFFFFFF38  }
0x8e: {  	_ =	sfence.sel $0x180000  }
0x8f: {  	[bflag:$0x0] =	sbarrier.arrive $0xFFFF  }
0x90: {  	p0 =	sne.s32 s0, $0x0;
	_ =	strace $0x90000050  }
0x91: {  	s0 =	sadd.s32 @!p0 $0x100000, s1;
	[bflag:$0x2] =	sbarrier.arrive $0xFFFF  }
0x92: {  	[sflag:s0] =	ssyncadd.tile.s32 @!p0 $0x1;
	_ =	shalt  }
.Lfunc_end2:
_tile_overlayer_lowered:
.L_overlay_start_2:
0x93: {  	(tag) =	ssettag $0x2  }
0x94: {  	s0 =	rddreg [dreg:$0x0];
	s2 =	stileid.u32  }
0x95: {  	s1 =	rddreg [dreg:$0x1];
	p0 =	sne.s32 s2, $0x0  }
0x96: {  	s3 =	rddreg [dreg:$0x2];
	[bflag:$0x3] =	sbarrier.arrive $0xFFFF;
	s2 =	simm.s32 @!p0 $0x1C01  }
0x97: {  	[timem:s3], [sflag:s2] =	dma.local @!p0 [hbm:s0], s1  }
0x98: {  	s0 =	simm.s32 @!p0 $0x1  }
0x99: {  	_ =	swait.ge @!p0 [sflag:s0], s1  }
0x9a: {  	s1 =	ssub.s32 @!p0 $0x0, s1;
	[sflag:s0] =	ssyncset.done @!p0 $0x0  }
0x9b: {  	[sflag:s0] =	ssyncadd.s32 @!p0 s1  }
0x9c: {  	[bflag:$0x3] =	sbarrier.arrive $0xFFFF  }
0x9d: {  	_ =	shalt  }

</sc_bundles>
